<compile_context>
chip_gen: v7x
topology: tpu7x:2x2x1
jax: 0.10.2.dev20260603
libtpu: 0.0.44.dev20260713+nightly
codegen_flags: <defaults>
</compile_context>

<pallas_src>
import jax
import jax.numpy as jnp
from jax import lax
from jax.experimental import pallas as pl
from jax.experimental.pallas import tpu as pltpu
from jax.experimental.pallas import tpu_sc as plsc

N = 10000
E = 320000
D = 128
NS = 10240
NB = E // 128
NBMAX = 79
EW = NBMAX * 128
NZ = NS // 16

_MESH = plsc.VectorSubcoreMesh(core_axis_name="c", subcore_axis_name="s")
_SC_PARAMS = pltpu.CompilerParams(needs_layout_passes=False)


def _sc_body(ei_hbm, ea_hbm, pq_hbm, out_hbm, degp_hbm,
             zv, onesv, degv, d2v, pvv, qvv, uv, pcv, rcv, eav, ov,
             deg_sh, semH, semA, semB, bsem):
    c = lax.axis_index("c")
    s = lax.axis_index("s")
    wid = c * 16 + s
    bb = wid * 78 + jnp.maximum(wid - 28, 0)
    nblk = jnp.where(wid >= 28, NBMAX, 78)
    base = bb * 128

    with jax.named_scope("stage"):
        h1 = pltpu.async_copy(ei_hbm.at[:, pl.ds(base, EW)], rcv, semH)

        for k in range(NZ // 16):
            zv[pl.ds(k * 16, 16)] = jnp.zeros((16,), jnp.float32)
        for k in range(8):
            onesv[pl.ds(k * 16, 16)] = jnp.full((16,), 1.0, jnp.float32)
        pltpu.sync_copy(zv, deg_sh.at[pl.ds(s * NZ, NZ)])

        h1.wait()
        plsc.subcore_barrier()

    with jax.named_scope("hist_scatter"):
        def _fire(j, carry):
            pltpu.async_copy(onesv.at[pl.ds(0, 128)],
                             deg_sh.at[rcv.at[1, pl.ds(j * 128, 128)]],
                             add=True, sem=semH)
            return carry

        lax.fori_loop(0, nblk, _fire, 0)

        a1 = pltpu.async_copy(pq_hbm.at[pl.ds(0, N)], pvv, semA)
        b1 = pltpu.async_copy(pq_hbm.at[pl.ds(N, N)], qvv, semB)
        b2 = pltpu.async_copy(ea_hbm.at[pl.ds(base, EW)], eav, semB)

        def _drain(j, carry):
            pltpu.make_async_copy(onesv.at[pl.ds(0, 128)],
                                  deg_sh.at[rcv.at[1, pl.ds(j * 128, 128)]],
                                  semH).wait()
            return carry

        lax.fori_loop(0, nblk, _drain, 0)
        plsc.subcore_barrier()

    with jax.named_scope("exchange"):
        @pl.when(s == 0)
        def _():
            pltpu.sync_copy(deg_sh, degp_hbm.at[pl.ds(c * NS, NS)])
            pltpu.core_barrier(bsem, core_axis_name="c")

        plsc.subcore_barrier()
        d2 = pltpu.async_copy(degp_hbm.at[pl.ds((1 - c) * NS, NS)], d2v, semA)
        pltpu.sync_copy(deg_sh, degv)
        d2.wait()
        a1.wait()

    with jax.named_scope("table"):
        @plsc.parallel_loop(0, N, step=16, unroll=4)
        def _table(i):
            sl = pl.ds(i, 16)
            d = degv[sl] + d2v[sl]
            half = d * 0.5
            y = lax.bitcast_convert_type(
                jnp.int32(0x5F3759DF)
                - (lax.bitcast_convert_type(d, jnp.int32) >> 1),
                jnp.float32)
            y = y * (1.5 - half * y * y)
            y = y * (1.5 - half * y * y)
            y = y * (1.5 - half * y * y)
            u = jnp.where(d == 0.0, jnp.full((16,), jnp.inf, jnp.float32), y)
            uv[sl] = u
            pcv[sl] = u * pvv[sl]

    with jax.named_scope("wait_edges"):
        b1.wait()
        b2.wait()

    with jax.named_scope("edges"):
        @plsc.parallel_loop(0, EW, step=16, unroll=4)
        def _edge(i):
            sl = pl.ds(i, 16)
            ir = rcv[0, sl]
            ic = rcv[1, sl]
            ur = plsc.load_gather(uv, [ir])
            qr = plsc.load_gather(qvv, [ir])
            pcc = plsc.load_gather(pcv, [ic])
            ov[sl] = eav[sl] * (ur * pcc + qr)

    with jax.named_scope("wb"):
        pltpu.sync_copy(ov.at[pl.ds(0, 78 * 128)],
                        out_hbm.at[pl.ds(base, 78 * 128)])

        @pl.when(wid >= 28)
        def _():
            pltpu.sync_copy(ov.at[pl.ds(78 * 128, 128)],
                            out_hbm.at[pl.ds(base + 78 * 128, 128)])


_sc_fused = pl.kernel(
    _sc_body,
    out_type=[jax.ShapeDtypeStruct((E,), jnp.float32),
              jax.ShapeDtypeStruct((2 * NS,), jnp.float32)],
    mesh=_MESH,
    compiler_params=_SC_PARAMS,
    scratch_types=[
        pltpu.VMEM((NZ,), jnp.float32),
        pltpu.VMEM((128,), jnp.float32),
        pltpu.VMEM((NS,), jnp.float32),
        pltpu.VMEM((NS,), jnp.float32),
        pltpu.VMEM((N,), jnp.float32),
        pltpu.VMEM((N,), jnp.float32),
        pltpu.VMEM((N,), jnp.float32),
        pltpu.VMEM((N,), jnp.float32),
        pltpu.VMEM((2, EW), jnp.int32),
        pltpu.VMEM((EW,), jnp.float32),
        pltpu.VMEM((EW,), jnp.float32),
        pltpu.VMEM_SHARED((NS,), jnp.float32),
        pltpu.SemaphoreType.DMA,
        pltpu.SemaphoreType.DMA,
        pltpu.SemaphoreType.DMA,
        pltpu.SemaphoreType.REGULAR,
    ],
)


def _mv_body(x_ref, pw_ref, qw_ref, pb_ref, qb_ref, o_ref):
    w = jnp.concatenate([pw_ref[...], qw_ref[...]], axis=0)
    b = jnp.concatenate([pb_ref[...], qb_ref[...]], axis=0)
    res = jnp.maximum(
        lax.dot_general(w, x_ref[...], (((1,), (1,)), ((), ())),
                        preferred_element_type=jnp.float32) + b, 0.0)
    o_ref[pl.ds(0, N)] = res[0, :]
    o_ref[pl.ds(N, N)] = res[1, :]


def _matvec(x, p_w, q_w, p_b, q_b):
    return pl.pallas_call(
        _mv_body,
        out_shape=jax.ShapeDtypeStruct((2 * N,), jnp.float32),
    )(x, p_w, q_w, p_b, q_b)


def kernel(x, edge_index, edge_attr, p_w, p_b, q_w, q_b):
    ei = edge_index.astype(jnp.int32)
    pq = _matvec(x, p_w, q_w, p_b.reshape(1, 1), q_b.reshape(1, 1))
    out, _ = _sc_fused(ei, edge_attr, pq)
    return (edge_index, out)

# --- scband reference (transcript-rebuilt; emitter-appended) ---
"""Pipeline reference for scband-edge-attention-25744033972452 (READ-ONLY COPY).

The authoritative reference and input builder live on the scoring server;
editing this copy changes nothing except your own understanding.
"""

import jax, jax.numpy as jnp
import numpy as np

N = 10000
E = 320000
D = 128

def setup_inputs(seed: int = 0) -> dict:
    key = jax.random.key(seed)
    k1, k2, k3, k4, k5, k6, k7 = jax.random.split(key, 7)
    x = jax.random.normal(k1, (N, D), dtype=jnp.float32)
    edge_index = jax.random.randint(k2, (2, E), 0, N).astype(jnp.int64)
    edge_attr = jax.random.uniform(k3, (E,), dtype=jnp.float32)
    s = 1.0 / np.sqrt(D)
    p_w = jax.random.normal(k4, (1, D), dtype=jnp.float32) * s
    p_b = jax.random.normal(k5, (1,), dtype=jnp.float32) * s
    q_w = jax.random.normal(k6, (1, D), dtype=jnp.float32) * s
    q_b = jax.random.normal(k7, (1,), dtype=jnp.float32) * s
    return {"x": x, "edge_index": edge_index, "edge_attr": edge_attr,
            "p_w": p_w, "p_b": p_b, "q_w": q_w, "q_b": q_b}

def reference(x, edge_index, edge_attr, p_w, p_b, q_w, q_b):
    n = x.shape[0]
    row = edge_index[0]
    col = edge_index[1]
    # degree(col, N): scatter-add of ones onto destination nodes
    deg = jax.ops.segment_sum(jnp.ones((edge_index.shape[1],), dtype=x.dtype), col, num_segments=n)
    deg_inv_sqrt = jnp.power(deg, -0.5)
    # symmetric normalization of edge values (gathers on row/col)
    edge_attr_t = deg_inv_sqrt[row] * edge_attr * deg_inv_sqrt[col]
    # p/q projections to scalar per node; dropout is identity in eval mode
    p_val = jax.nn.relu(x @ p_w.T + p_b).reshape(-1)
    q_val = jax.nn.relu(x @ q_w.T + q_b).reshape(-1)
    # spspmm(A_norm, diag(p)): value at edge (r,c) = edge_attr_t * p_val[c]
    # spspmm(diag(q), A):      value at edge (r,c) = q_val[r] * edge_attr
    p_adj_mat_val = edge_attr_t * jnp.take(p_val, col)
    q_adj_mat_val = jnp.take(q_val, row) * edge_attr
    return (edge_index, p_adj_mat_val + q_adj_mat_val)

if __name__ == "__main__":
    import jax
    _d = setup_inputs()
    print(jax.jit(kernel)(*tuple(_d.values())))

</pallas_src>

<mosaic_0001>
#map = affine_map<(d0, d1) -> (0, 0)>
#map1 = affine_map<(d0, d1) -> (0)>
module attributes {stable_mosaic.version = 14 : i64} {
  func.func @_sc_body(%arg0: i32, %arg1: i32, %arg2: memref<2x320000xi32, #tpu.memory_space<hbm>>, %arg3: memref<320000xf32, #tpu.memory_space<hbm>>, %arg4: memref<20000xf32, #tpu.memory_space<hbm>>, %arg5: memref<320000xf32, #tpu.memory_space<hbm>>, %arg6: memref<20480xf32, #tpu.memory_space<hbm>>, %arg7: memref<640xf32, #tpu.memory_space<vmem>>, %arg8: memref<128xf32, #tpu.memory_space<vmem>>, %arg9: memref<10240xf32, #tpu.memory_space<vmem>>, %arg10: memref<10240xf32, #tpu.memory_space<vmem>>, %arg11: memref<10000xf32, #tpu.memory_space<vmem>>, %arg12: memref<10000xf32, #tpu.memory_space<vmem>>, %arg13: memref<10000xf32, #tpu.memory_space<vmem>>, %arg14: memref<10000xf32, #tpu.memory_space<vmem>>, %arg15: memref<2x10112xi32, #tpu.memory_space<vmem>>, %arg16: memref<10112xf32, #tpu.memory_space<vmem>>, %arg17: memref<10112xf32, #tpu.memory_space<vmem>>, %arg18: memref<10240xf32, #tpu.memory_space<vmem_shared>>, %arg19: memref<!tpu.dma_semaphore, #tpu.memory_space<semaphore_mem>>, %arg20: memref<!tpu.dma_semaphore, #tpu.memory_space<semaphore_mem>>, %arg21: memref<!tpu.dma_semaphore, #tpu.memory_space<semaphore_mem>>, %arg22: memref<!tpu.semaphore, #tpu.memory_space<semaphore_mem>>) attributes {dimension_semantics = [#tpu.dimension_semantics<core_parallel>, #tpu.dimension_semantics<subcore_parallel>], iteration_bounds = array<i64: 2, 16>, scalar_prefetch = 0 : i64, scratch_operands = 16 : i64, tpu.core_type = #tpu.core_type<sc_vector_subcore>, window_params = [{transform_indices = #map}, {transform_indices = #map1}, {transform_indices = #map1}, {transform_indices = #map1}, {transform_indices = #map1}]} {
    %mul3A = arith.constant 16 : i32
    %mul3A_0 = arith.muli %arg0, %mul3A : i32
    %add3A = arith.addi %mul3A_0, %arg1 : i32
    %mul3A_1 = arith.constant 78 : i32
    %mul3A_2 = arith.muli %add3A, %mul3A_1 : i32
    %sub3A = arith.constant 28 : i32
    %sub3A_3 = arith.subi %add3A, %sub3A : i32
    %max3A = arith.constant 0 : i32
    %max3A_4 = arith.maxsi %sub3A_3, %max3A : i32
    %add3A_5 = arith.addi %mul3A_2, %max3A_4 : i32
    %ge3A = arith.constant 28 : i32
    %ge3A_6 = arith.cmpi sge, %add3A, %ge3A : i32
    %jit3A = arith.constant 79 : i32
    %jit3A_7 = arith.constant 78 : i32
    %select_n3A = arith.select %ge3A_6, %jit3A, %jit3A_7 : i32
    %mul3A_8 = arith.constant 128 : i32
    %mul3A_9 = arith.muli %add3A_5, %mul3A_8 : i32
    "tpu.trace_start"() <{level = 10 : i32, message = "stage"}> : () -> ()
    %dma_start3A = arith.constant 0 : i32
    %dma_start3A_10 = tpu.memref_slice %arg2[%dma_start3A, %mul3A_9] : memref<2x320000xi32, #tpu.memory_space<hbm>> -> memref<2x10112xi32, #tpu.memory_space<hbm>>
    %dma_start3A_11 = arith.constant 0 : i32
    %dma_start3A_12 = tpu.memref_slice %arg2[%dma_start3A_11, %mul3A_9] : memref<2x320000xi32, #tpu.memory_space<hbm>> -> memref<2x10112xi32, #tpu.memory_space<hbm>>
    tpu.enqueue_dma source(%dma_start3A_12 : memref<2x10112xi32, #tpu.memory_space<hbm>>) target(%arg15 : memref<2x10112xi32, #tpu.memory_space<vmem>>) target_semaphore(%arg19 : memref<!tpu.dma_semaphore, #tpu.memory_space<semaphore_mem>>)
    %broadcast_in_dim3A = arith.constant 0.000000e+00 : f32
    %broadcast_in_dim3A_13 = vector.broadcast %broadcast_in_dim3A : f32 to vector<16xf32>
    %swap3A = arith.constant 0 : index
    %swap3A_14 = tpu.vector_load %arg7[%swap3A] {strides = array<i32>} : memref<640xf32, #tpu.memory_space<vmem>>, vector<16xf32>,
    tpu.vector_store %arg7[%swap3A], %broadcast_in_dim3A_13 {strides = array<i32>} : memref<640xf32, #tpu.memory_space<vmem>>, vector<16xf32>,
    %broadcast_in_dim3A_15 = arith.constant 0.000000e+00 : f32
    %broadcast_in_dim3A_16 = vector.broadcast %broadcast_in_dim3A_15 : f32 to vector<16xf32>
    %swap3A_17 = arith.constant 16 : index
    %swap3A_18 = tpu.vector_load %arg7[%swap3A_17] {strides = array<i32>} : memref<640xf32, #tpu.memory_space<vmem>>, vector<16xf32>,
    tpu.vector_store %arg7[%swap3A_17], %broadcast_in_dim3A_16 {strides = array<i32>} : memref<640xf32, #tpu.memory_space<vmem>>, vector<16xf32>,
    %broadcast_in_dim3A_19 = arith.constant 0.000000e+00 : f32
    %broadcast_in_dim3A_20 = vector.broadcast %broadcast_in_dim3A_19 : f32 to vector<16xf32>
    %swap3A_21 = arith.constant 32 : index
    %swap3A_22 = tpu.vector_load %arg7[%swap3A_21] {strides = array<i32>} : memref<640xf32, #tpu.memory_space<vmem>>, vector<16xf32>,
    tpu.vector_store %arg7[%swap3A_21], %broadcast_in_dim3A_20 {strides = array<i32>} : memref<640xf32, #tpu.memory_space<vmem>>, vector<16xf32>,
    %broadcast_in_dim3A_23 = arith.constant 0.000000e+00 : f32
    %broadcast_in_dim3A_24 = vector.broadcast %broadcast_in_dim3A_23 : f32 to vector<16xf32>
    %swap3A_25 = arith.constant 48 : index
    %swap3A_26 = tpu.vector_load %arg7[%swap3A_25] {strides = array<i32>} : memref<640xf32, #tpu.memory_space<vmem>>, vector<16xf32>,
    tpu.vector_store %arg7[%swap3A_25], %broadcast_in_dim3A_24 {strides = array<i32>} : memref<640xf32, #tpu.memory_space<vmem>>, vector<16xf32>,
    %broadcast_in_dim3A_27 = arith.constant 0.000000e+00 : f32
    %broadcast_in_dim3A_28 = vector.broadcast %broadcast_in_dim3A_27 : f32 to vector<16xf32>
    %swap3A_29 = arith.constant 64 : index
    %swap3A_30 = tpu.vector_load %arg7[%swap3A_29] {strides = array<i32>} : memref<640xf32, #tpu.memory_space<vmem>>, vector<16xf32>,
    tpu.vector_store %arg7[%swap3A_29], %broadcast_in_dim3A_28 {strides = array<i32>} : memref<640xf32, #tpu.memory_space<vmem>>, vector<16xf32>,
    %broadcast_in_dim3A_31 = arith.constant 0.000000e+00 : f32
    %broadcast_in_dim3A_32 = vector.broadcast %broadcast_in_dim3A_31 : f32 to vector<16xf32>
    %swap3A_33 = arith.constant 80 : index
    %swap3A_34 = tpu.vector_load %arg7[%swap3A_33] {strides = array<i32>} : memref<640xf32, #tpu.memory_space<vmem>>, vector<16xf32>,
    tpu.vector_store %arg7[%swap3A_33], %broadcast_in_dim3A_32 {strides = array<i32>} : memref<640xf32, #tpu.memory_space<vmem>>, vector<16xf32>,
    %broadcast_in_dim3A_35 = arith.constant 0.000000e+00 : f32
    %broadcast_in_dim3A_36 = vector.broadcast %broadcast_in_dim3A_35 : f32 to vector<16xf32>
    %swap3A_37 = arith.constant 96 : index
    %swap3A_38 = tpu.vector_load %arg7[%swap3A_37] {strides = array<i32>} : memref<640xf32, #tpu.memory_space<vmem>>, vector<16xf32>,
    tpu.vector_store %arg7[%swap3A_37], %broadcast_in_dim3A_36 {strides = array<i32>} : memref<640xf32, #tpu.memory_space<vmem>>, vector<16xf32>,
    %broadcast_in_dim3A_39 = arith.constant 0.000000e+00 : f32
    %broadcast_in_dim3A_40 = vector.broadcast %broadcast_in_dim3A_39 : f32 to vector<16xf32>
    %swap3A_41 = arith.constant 112 : index
    %swap3A_42 = tpu.vector_load %arg7[%swap3A_41] {strides = array<i32>} : memref<640xf32, #tpu.memory_space<vmem>>, vector<16xf32>,
    tpu.vector_store %arg7[%swap3A_41], %broadcast_in_dim3A_40 {strides = array<i32>} : memref<640xf32, #tpu.memory_space<vmem>>, vector<16xf32>,
    %broadcast_in_dim3A_43 = arith.constant 0.000000e+00 : f32
    %broadcast_in_dim3A_44 = vector.broadcast %broadcast_in_dim3A_43 : f32 to vector<16xf32>
    %swap3A_45 = arith.constant 128 : index
    %swap3A_46 = tpu.vector_load %arg7[%swap3A_45] {strides = array<i32>} : memref<640xf32, #tpu.memory_space<vmem>>, vector<16xf32>,
    tpu.vector_store %arg7[%swap3A_45], %broadcast_in_dim3A_44 {strides = array<i32>} : memref<640xf32, #tpu.memory_space<vmem>>, vector<16xf32>,
    %broadcast_in_dim3A_47 = arith.constant 0.000000e+00 : f32
    %broadcast_in_dim3A_48 = vector.broadcast %broadcast_in_dim3A_47 : f32 to vector<16xf32>
    %swap3A_49 = arith.constant 144 : index
    %swap3A_50 = tpu.vector_load %arg7[%swap3A_49] {strides = array<i32>} : memref<640xf32, #tpu.memory_space<vmem>>, vector<16xf32>,
    tpu.vector_store %arg7[%swap3A_49], %broadcast_in_dim3A_48 {strides = array<i32>} : memref<640xf32, #tpu.memory_space<vmem>>, vector<16xf32>,
    %broadcast_in_dim3A_51 = arith.constant 0.000000e+00 : f32
    %broadcast_in_dim3A_52 = vector.broadcast %broadcast_in_dim3A_51 : f32 to vector<16xf32>
    %swap3A_53 = arith.constant 160 : index
    %swap3A_54 = tpu.vector_load %arg7[%swap3A_53] {strides = array<i32>} : memref<640xf32, #tpu.memory_space<vmem>>, vector<16xf32>,
    tpu.vector_store %arg7[%swap3A_53], %broadcast_in_dim3A_52 {strides = array<i32>} : memref<640xf32, #tpu.memory_space<vmem>>, vector<16xf32>,
    %broadcast_in_dim3A_55 = arith.constant 0.000000e+00 : f32
    %broadcast_in_dim3A_56 = vector.broadcast %broadcast_in_dim3A_55 : f32 to vector<16xf32>
    %swap3A_57 = arith.constant 176 : index
    %swap3A_58 = tpu.vector_load %arg7[%swap3A_57] {strides = array<i32>} : memref<640xf32, #tpu.memory_space<vmem>>, vector<16xf32>,
    tpu.vector_store %arg7[%swap3A_57], %broadcast_in_dim3A_56 {strides = array<i32>} : memref<640xf32, #tpu.memory_space<vmem>>, vector<16xf32>,
    %broadcast_in_dim3A_59 = arith.constant 0.000000e+00 : f32
    %broadcast_in_dim3A_60 = vector.broadcast %broadcast_in_dim3A_59 : f32 to vector<16xf32>
    %swap3A_61 = arith.constant 192 : index
    %swap3A_62 = tpu.vector_load %arg7[%swap3A_61] {strides = array<i32>} : memref<640xf32, #tpu.memory_space<vmem>>, vector<16xf32>,
    tpu.vector_store %arg7[%swap3A_61], %broadcast_in_dim3A_60 {strides = array<i32>} : memref<640xf32, #tpu.memory_space<vmem>>, vector<16xf32>,
    %broadcast_in_dim3A_63 = arith.constant 0.000000e+00 : f32
    %broadcast_in_dim3A_64 = vector.broadcast %broadcast_in_dim3A_63 : f32 to vector<16xf32>
    %swap3A_65 = arith.constant 208 : index
    %swap3A_66 = tpu.vector_load %arg7[%swap3A_65] {strides = array<i32>} : memref<640xf32, #tpu.memory_space<vmem>>, vector<16xf32>,
    tpu.vector_store %arg7[%swap3A_65], %broadcast_in_dim3A_64 {strides = array<i32>} : memref<640xf32, #tpu.memory_space<vmem>>, vector<16xf32>,
    %broadcast_in_dim3A_67 = arith.constant 0.000000e+00 : f32
    %broadcast_in_dim3A_68 = vector.broadcast %broadcast_in_dim3A_67 : f32 to vector<16xf32>
    %swap3A_69 = arith.constant 224 : index
    %swap3A_70 = tpu.vector_load %arg7[%swap3A_69] {strides = array<i32>} : memref<640xf32, #tpu.memory_space<vmem>>, vector<16xf32>,
    tpu.vector_store %arg7[%swap3A_69], %broadcast_in_dim3A_68 {strides = array<i32>} : memref<640xf32, #tpu.memory_space<vmem>>, vector<16xf32>,
    %broadcast_in_dim3A_71 = arith.constant 0.000000e+00 : f32
    %broadcast_in_dim3A_72 = vector.broadcast %broadcast_in_dim3A_71 : f32 to vector<16xf32>
    %swap3A_73 = arith.constant 240 : index
    %swap3A_74 = tpu.vector_load %arg7[%swap3A_73] {strides = array<i32>} : memref<640xf32, #tpu.memory_space<vmem>>, vector<16xf32>,
    tpu.vector_store %arg7[%swap3A_73], %broadcast_in_dim3A_72 {strides = array<i32>} : memref<640xf32, #tpu.memory_space<vmem>>, vector<16xf32>,
    %broadcast_in_dim3A_75 = arith.constant 0.000000e+00 : f32
    %broadcast_in_dim3A_76 = vector.broadcast %broadcast_in_dim3A_75 : f32 to vector<16xf32>
    %swap3A_77 = arith.constant 256 : index
    %swap3A_78 = tpu.vector_load %arg7[%swap3A_77] {strides = array<i32>} : memref<640xf32, #tpu.memory_space<vmem>>, vector<16xf32>,
    tpu.vector_store %arg7[%swap3A_77], %broadcast_in_dim3A_76 {strides = array<i32>} : memref<640xf32, #tpu.memory_space<vmem>>, vector<16xf32>,
    %broadcast_in_dim3A_79 = arith.constant 0.000000e+00 : f32
    %broadcast_in_dim3A_80 = vector.broadcast %broadcast_in_dim3A_79 : f32 to vector<16xf32>
    %swap3A_81 = arith.constant 272 : index
    %swap3A_82 = tpu.vector_load %arg7[%swap3A_81] {strides = array<i32>} : memref<640xf32, #tpu.memory_space<vmem>>, vector<16xf32>,
    tpu.vector_store %arg7[%swap3A_81], %broadcast_in_dim3A_80 {strides = array<i32>} : memref<640xf32, #tpu.memory_space<vmem>>, vector<16xf32>,
    %broadcast_in_dim3A_83 = arith.constant 0.000000e+00 : f32
    %broadcast_in_dim3A_84 = vector.broadcast %broadcast_in_dim3A_83 : f32 to vector<16xf32>
    %swap3A_85 = arith.constant 288 : index
    %swap3A_86 = tpu.vector_load %arg7[%swap3A_85] {strides = array<i32>} : memref<640xf32, #tpu.memory_space<vmem>>, vector<16xf32>,
    tpu.vector_store %arg7[%swap3A_85], %broadcast_in_dim3A_84 {strides = array<i32>} : memref<640xf32, #tpu.memory_space<vmem>>, vector<16xf32>,
    %broadcast_in_dim3A_87 = arith.constant 0.000000e+00 : f32
    %broadcast_in_dim3A_88 = vector.broadcast %broadcast_in_dim3A_87 : f32 to vector<16xf32>
    %swap3A_89 = arith.constant 304 : index
    %swap3A_90 = tpu.vector_load %arg7[%swap3A_89] {strides = array<i32>} : memref<640xf32, #tpu.memory_space<vmem>>, vector<16xf32>,
    tpu.vector_store %arg7[%swap3A_89], %broadcast_in_dim3A_88 {strides = array<i32>} : memref<640xf32, #tpu.memory_space<vmem>>, vector<16xf32>,
    %broadcast_in_dim3A_91 = arith.constant 0.000000e+00 : f32
    %broadcast_in_dim3A_92 = vector.broadcast %broadcast_in_dim3A_91 : f32 to vector<16xf32>
    %swap3A_93 = arith.constant 320 : index
    %swap3A_94 = tpu.vector_load %arg7[%swap3A_93] {strides = array<i32>} : memref<640xf32, #tpu.memory_space<vmem>>, vector<16xf32>,
    tpu.vector_store %arg7[%swap3A_93], %broadcast_in_dim3A_92 {strides = array<i32>} : memref<640xf32, #tpu.memory_space<vmem>>, vector<16xf32>,
    %broadcast_in_dim3A_95 = arith.constant 0.000000e+00 : f32
    %broadcast_in_dim3A_96 = vector.broadcast %broadcast_in_dim3A_95 : f32 to vector<16xf32>
    %swap3A_97 = arith.constant 336 : index
    %swap3A_98 = tpu.vector_load %arg7[%swap3A_97] {strides = array<i32>} : memref<640xf32, #tpu.memory_space<vmem>>, vector<16xf32>,
    tpu.vector_store %arg7[%swap3A_97], %broadcast_in_dim3A_96 {strides = array<i32>} : memref<640xf32, #tpu.memory_space<vmem>>, vector<16xf32>,
    %broadcast_in_dim3A_99 = arith.constant 0.000000e+00 : f32
    %broadcast_in_dim3A_100 = vector.broadcast %broadcast_in_dim3A_99 : f32 to vector<16xf32>
    %swap3A_101 = arith.constant 352 : index
    %swap3A_102 = tpu.vector_load %arg7[%swap3A_101] {strides = array<i32>} : memref<640xf32, #tpu.memory_space<vmem>>, vector<16xf32>,
    tpu.vector_store %arg7[%swap3A_101], %broadcast_in_dim3A_100 {strides = array<i32>} : memref<640xf32, #tpu.memory_space<vmem>>, vector<16xf32>,
    %broadcast_in_dim3A_103 = arith.constant 0.000000e+00 : f32
    %broadcast_in_dim3A_104 = vector.broadcast %broadcast_in_dim3A_103 : f32 to vector<16xf32>
    %swap3A_105 = arith.constant 368 : index
    %swap3A_106 = tpu.vector_load %arg7[%swap3A_105] {strides = array<i32>} : memref<640xf32, #tpu.memory_space<vmem>>, vector<16xf32>,
    tpu.vector_store %arg7[%swap3A_105], %broadcast_in_dim3A_104 {strides = array<i32>} : memref<640xf32, #tpu.memory_space<vmem>>, vector<16xf32>,
    %broadcast_in_dim3A_107 = arith.constant 0.000000e+00 : f32
    %broadcast_in_dim3A_108 = vector.broadcast %broadcast_in_dim3A_107 : f32 to vector<16xf32>
    %swap3A_109 = arith.constant 384 : index
    %swap3A_110 = tpu.vector_load %arg7[%swap3A_109] {strides = array<i32>} : memref<640xf32, #tpu.memory_space<vmem>>, vector<16xf32>,
    tpu.vector_store %arg7[%swap3A_109], %broadcast_in_dim3A_108 {strides = array<i32>} : memref<640xf32, #tpu.memory_space<vmem>>, vector<16xf32>,
    %broadcast_in_dim3A_111 = arith.constant 0.000000e+00 : f32
    %broadcast_in_dim3A_112 = vector.broadcast %broadcast_in_dim3A_111 : f32 to vector<16xf32>
    %swap3A_113 = arith.constant 400 : index
    %swap3A_114 = tpu.vector_load %arg7[%swap3A_113] {strides = array<i32>} : memref<640xf32, #tpu.memory_space<vmem>>, vector<16xf32>,
    tpu.vector_store %arg7[%swap3A_113], %broadcast_in_dim3A_112 {strides = array<i32>} : memref<640xf32, #tpu.memory_space<vmem>>, vector<16xf32>,
    %broadcast_in_dim3A_115 = arith.constant 0.000000e+00 : f32
    %broadcast_in_dim3A_116 = vector.broadcast %broadcast_in_dim3A_115 : f32 to vector<16xf32>
    %swap3A_117 = arith.constant 416 : index
    %swap3A_118 = tpu.vector_load %arg7[%swap3A_117] {strides = array<i32>} : memref<640xf32, #tpu.memory_space<vmem>>, vector<16xf32>,
    tpu.vector_store %arg7[%swap3A_117], %broadcast_in_dim3A_116 {strides = array<i32>} : memref<640xf32, #tpu.memory_space<vmem>>, vector<16xf32>,
    %broadcast_in_dim3A_119 = arith.constant 0.000000e+00 : f32
    %broadcast_in_dim3A_120 = vector.broadcast %broadcast_in_dim3A_119 : f32 to vector<16xf32>
    %swap3A_121 = arith.constant 432 : index
    %swap3A_122 = tpu.vector_load %arg7[%swap3A_121] {strides = array<i32>} : memref<640xf32, #tpu.memory_space<vmem>>, vector<16xf32>,
    tpu.vector_store %arg7[%swap3A_121], %broadcast_in_dim3A_120 {strides = array<i32>} : memref<640xf32, #tpu.memory_space<vmem>>, vector<16xf32>,
    %broadcast_in_dim3A_123 = arith.constant 0.000000e+00 : f32
    %broadcast_in_dim3A_124 = vector.broadcast %broadcast_in_dim3A_123 : f32 to vector<16xf32>
    %swap3A_125 = arith.constant 448 : index
    %swap3A_126 = tpu.vector_load %arg7[%swap3A_125] {strides = array<i32>} : memref<640xf32, #tpu.memory_space<vmem>>, vector<16xf32>,
    tpu.vector_store %arg7[%swap3A_125], %broadcast_in_dim3A_124 {strides = array<i32>} : memref<640xf32, #tpu.memory_space<vmem>>, vector<16xf32>,
    %broadcast_in_dim3A_127 = arith.constant 0.000000e+00 : f32
    %broadcast_in_dim3A_128 = vector.broadcast %broadcast_in_dim3A_127 : f32 to vector<16xf32>
    %swap3A_129 = arith.constant 464 : index
    %swap3A_130 = tpu.vector_load %arg7[%swap3A_129] {strides = array<i32>} : memref<640xf32, #tpu.memory_space<vmem>>, vector<16xf32>,
    tpu.vector_store %arg7[%swap3A_129], %broadcast_in_dim3A_128 {strides = array<i32>} : memref<640xf32, #tpu.memory_space<vmem>>, vector<16xf32>,
    %broadcast_in_dim3A_131 = arith.constant 0.000000e+00 : f32
    %broadcast_in_dim3A_132 = vector.broadcast %broadcast_in_dim3A_131 : f32 to vector<16xf32>
    %swap3A_133 = arith.constant 480 : index
    %swap3A_134 = tpu.vector_load %arg7[%swap3A_133] {strides = array<i32>} : memref<640xf32, #tpu.memory_space<vmem>>, vector<16xf32>,
    tpu.vector_store %arg7[%swap3A_133], %broadcast_in_dim3A_132 {strides = array<i32>} : memref<640xf32, #tpu.memory_space<vmem>>, vector<16xf32>,
    %broadcast_in_dim3A_135 = arith.constant 0.000000e+00 : f32
    %broadcast_in_dim3A_136 = vector.broadcast %broadcast_in_dim3A_135 : f32 to vector<16xf32>
    %swap3A_137 = arith.constant 496 : index
    %swap3A_138 = tpu.vector_load %arg7[%swap3A_137] {strides = array<i32>} : memref<640xf32, #tpu.memory_space<vmem>>, vector<16xf32>,
    tpu.vector_store %arg7[%swap3A_137], %broadcast_in_dim3A_136 {strides = array<i32>} : memref<640xf32, #tpu.memory_space<vmem>>, vector<16xf32>,
    %broadcast_in_dim3A_139 = arith.constant 0.000000e+00 : f32
    %broadcast_in_dim3A_140 = vector.broadcast %broadcast_in_dim3A_139 : f32 to vector<16xf32>
    %swap3A_141 = arith.constant 512 : index
    %swap3A_142 = tpu.vector_load %arg7[%swap3A_141] {strides = array<i32>} : memref<640xf32, #tpu.memory_space<vmem>>, vector<16xf32>,
    tpu.vector_store %arg7[%swap3A_141], %broadcast_in_dim3A_140 {strides = array<i32>} : memref<640xf32, #tpu.memory_space<vmem>>, vector<16xf32>,
    %broadcast_in_dim3A_143 = arith.constant 0.000000e+00 : f32
    %broadcast_in_dim3A_144 = vector.broadcast %broadcast_in_dim3A_143 : f32 to vector<16xf32>
    %swap3A_145 = arith.constant 528 : index
    %swap3A_146 = tpu.vector_load %arg7[%swap3A_145] {strides = array<i32>} : memref<640xf32, #tpu.memory_space<vmem>>, vector<16xf32>,
    tpu.vector_store %arg7[%swap3A_145], %broadcast_in_dim3A_144 {strides = array<i32>} : memref<640xf32, #tpu.memory_space<vmem>>, vector<16xf32>,
    %broadcast_in_dim3A_147 = arith.constant 0.000000e+00 : f32
    %broadcast_in_dim3A_148 = vector.broadcast %broadcast_in_dim3A_147 : f32 to vector<16xf32>
    %swap3A_149 = arith.constant 544 : index
    %swap3A_150 = tpu.vector_load %arg7[%swap3A_149] {strides = array<i32>} : memref<640xf32, #tpu.memory_space<vmem>>, vector<16xf32>,
    tpu.vector_store %arg7[%swap3A_149], %broadcast_in_dim3A_148 {strides = array<i32>} : memref<640xf32, #tpu.memory_space<vmem>>, vector<16xf32>,
    %broadcast_in_dim3A_151 = arith.constant 0.000000e+00 : f32
    %broadcast_in_dim3A_152 = vector.broadcast %broadcast_in_dim3A_151 : f32 to vector<16xf32>
    %swap3A_153 = arith.constant 560 : index
    %swap3A_154 = tpu.vector_load %arg7[%swap3A_153] {strides = array<i32>} : memref<640xf32, #tpu.memory_space<vmem>>, vector<16xf32>,
    tpu.vector_store %arg7[%swap3A_153], %broadcast_in_dim3A_152 {strides = array<i32>} : memref<640xf32, #tpu.memory_space<vmem>>, vector<16xf32>,
    %broadcast_in_dim3A_155 = arith.constant 0.000000e+00 : f32
    %broadcast_in_dim3A_156 = vector.broadcast %broadcast_in_dim3A_155 : f32 to vector<16xf32>
    %swap3A_157 = arith.constant 576 : index
    %swap3A_158 = tpu.vector_load %arg7[%swap3A_157] {strides = array<i32>} : memref<640xf32, #tpu.memory_space<vmem>>, vector<16xf32>,
    tpu.vector_store %arg7[%swap3A_157], %broadcast_in_dim3A_156 {strides = array<i32>} : memref<640xf32, #tpu.memory_space<vmem>>, vector<16xf32>,
    %broadcast_in_dim3A_159 = arith.constant 0.000000e+00 : f32
    %broadcast_in_dim3A_160 = vector.broadcast %broadcast_in_dim3A_159 : f32 to vector<16xf32>
    %swap3A_161 = arith.constant 592 : index
    %swap3A_162 = tpu.vector_load %arg7[%swap3A_161] {strides = array<i32>} : memref<640xf32, #tpu.memory_space<vmem>>, vector<16xf32>,
    tpu.vector_store %arg7[%swap3A_161], %broadcast_in_dim3A_160 {strides = array<i32>} : memref<640xf32, #tpu.memory_space<vmem>>, vector<16xf32>,
    %broadcast_in_dim3A_163 = arith.constant 0.000000e+00 : f32
    %broadcast_in_dim3A_164 = vector.broadcast %broadcast_in_dim3A_163 : f32 to vector<16xf32>
    %swap3A_165 = arith.constant 608 : index
    %swap3A_166 = tpu.vector_load %arg7[%swap3A_165] {strides = array<i32>} : memref<640xf32, #tpu.memory_space<vmem>>, vector<16xf32>,
    tpu.vector_store %arg7[%swap3A_165], %broadcast_in_dim3A_164 {strides = array<i32>} : memref<640xf32, #tpu.memory_space<vmem>>, vector<16xf32>,
    %broadcast_in_dim3A_167 = arith.constant 0.000000e+00 : f32
    %broadcast_in_dim3A_168 = vector.broadcast %broadcast_in_dim3A_167 : f32 to vector<16xf32>
    %swap3A_169 = arith.constant 624 : index
    %swap3A_170 = tpu.vector_load %arg7[%swap3A_169] {strides = array<i32>} : memref<640xf32, #tpu.memory_space<vmem>>, vector<16xf32>,
    tpu.vector_store %arg7[%swap3A_169], %broadcast_in_dim3A_168 {strides = array<i32>} : memref<640xf32, #tpu.memory_space<vmem>>, vector<16xf32>,
    %broadcast_in_dim3A_171 = arith.constant 1.000000e+00 : f32
    %broadcast_in_dim3A_172 = vector.broadcast %broadcast_in_dim3A_171 : f32 to vector<16xf32>
    %swap3A_173 = arith.constant 0 : index
    %swap3A_174 = tpu.vector_load %arg8[%swap3A_173] {strides = array<i32>} : memref<128xf32, #tpu.memory_space<vmem>>, vector<16xf32>,
    tpu.vector_store %arg8[%swap3A_173], %broadcast_in_dim3A_172 {strides = array<i32>} : memref<128xf32, #tpu.memory_space<vmem>>, vector<16xf32>,
    %broadcast_in_dim3A_175 = arith.constant 1.000000e+00 : f32
    %broadcast_in_dim3A_176 = vector.broadcast %broadcast_in_dim3A_175 : f32 to vector<16xf32>
    %swap3A_177 = arith.constant 16 : index
    %swap3A_178 = tpu.vector_load %arg8[%swap3A_177] {strides = array<i32>} : memref<128xf32, #tpu.memory_space<vmem>>, vector<16xf32>,
    tpu.vector_store %arg8[%swap3A_177], %broadcast_in_dim3A_176 {strides = array<i32>} : memref<128xf32, #tpu.memory_space<vmem>>, vector<16xf32>,
    %broadcast_in_dim3A_179 = arith.constant 1.000000e+00 : f32
    %broadcast_in_dim3A_180 = vector.broadcast %broadcast_in_dim3A_179 : f32 to vector<16xf32>
    %swap3A_181 = arith.constant 32 : index
    %swap3A_182 = tpu.vector_load %arg8[%swap3A_181] {strides = array<i32>} : memref<128xf32, #tpu.memory_space<vmem>>, vector<16xf32>,
    tpu.vector_store %arg8[%swap3A_181], %broadcast_in_dim3A_180 {strides = array<i32>} : memref<128xf32, #tpu.memory_space<vmem>>, vector<16xf32>,
    %broadcast_in_dim3A_183 = arith.constant 1.000000e+00 : f32
    %broadcast_in_dim3A_184 = vector.broadcast %broadcast_in_dim3A_183 : f32 to vector<16xf32>
    %swap3A_185 = arith.constant 48 : index
    %swap3A_186 = tpu.vector_load %arg8[%swap3A_185] {strides = array<i32>} : memref<128xf32, #tpu.memory_space<vmem>>, vector<16xf32>,
    tpu.vector_store %arg8[%swap3A_185], %broadcast_in_dim3A_184 {strides = array<i32>} : memref<128xf32, #tpu.memory_space<vmem>>, vector<16xf32>,
    %broadcast_in_dim3A_187 = arith.constant 1.000000e+00 : f32
    %broadcast_in_dim3A_188 = vector.broadcast %broadcast_in_dim3A_187 : f32 to vector<16xf32>
    %swap3A_189 = arith.constant 64 : index
    %swap3A_190 = tpu.vector_load %arg8[%swap3A_189] {strides = array<i32>} : memref<128xf32, #tpu.memory_space<vmem>>, vector<16xf32>,
    tpu.vector_store %arg8[%swap3A_189], %broadcast_in_dim3A_188 {strides = array<i32>} : memref<128xf32, #tpu.memory_space<vmem>>, vector<16xf32>,
    %broadcast_in_dim3A_191 = arith.constant 1.000000e+00 : f32
    %broadcast_in_dim3A_192 = vector.broadcast %broadcast_in_dim3A_191 : f32 to vector<16xf32>
    %swap3A_193 = arith.constant 80 : index
    %swap3A_194 = tpu.vector_load %arg8[%swap3A_193] {strides = array<i32>} : memref<128xf32, #tpu.memory_space<vmem>>, vector<16xf32>,
    tpu.vector_store %arg8[%swap3A_193], %broadcast_in_dim3A_192 {strides = array<i32>} : memref<128xf32, #tpu.memory_space<vmem>>, vector<16xf32>,
    %broadcast_in_dim3A_195 = arith.constant 1.000000e+00 : f32
    %broadcast_in_dim3A_196 = vector.broadcast %broadcast_in_dim3A_195 : f32 to vector<16xf32>
    %swap3A_197 = arith.constant 96 : index
    %swap3A_198 = tpu.vector_load %arg8[%swap3A_197] {strides = array<i32>} : memref<128xf32, #tpu.memory_space<vmem>>, vector<16xf32>,
    tpu.vector_store %arg8[%swap3A_197], %broadcast_in_dim3A_196 {strides = array<i32>} : memref<128xf32, #tpu.memory_space<vmem>>, vector<16xf32>,
    %broadcast_in_dim3A_199 = arith.constant 1.000000e+00 : f32
    %broadcast_in_dim3A_200 = vector.broadcast %broadcast_in_dim3A_199 : f32 to vector<16xf32>
    %swap3A_201 = arith.constant 112 : index
    %swap3A_202 = tpu.vector_load %arg8[%swap3A_201] {strides = array<i32>} : memref<128xf32, #tpu.memory_space<vmem>>, vector<16xf32>,
    tpu.vector_store %arg8[%swap3A_201], %broadcast_in_dim3A_200 {strides = array<i32>} : memref<128xf32, #tpu.memory_space<vmem>>, vector<16xf32>,
    %mul3A_203 = arith.constant 640 : i32
    %mul3A_204 = arith.muli %arg1, %mul3A_203 : i32
    "tpu.region"() ({
      %run_scoped3A = tpu.sem_alloc : memref<!tpu.dma_semaphore, #tpu.memory_space<semaphore_mem>>
      %dma_start3A_269 = tpu.memref_slice %arg18[%mul3A_204] : memref<10240xf32, #tpu.memory_space<vmem_shared>> -> memref<640xf32, #tpu.memory_space<vmem_shared>>
      %dma_start3A_270 = tpu.memref_slice %arg18[%mul3A_204] : memref<10240xf32, #tpu.memory_space<vmem_shared>> -> memref<640xf32, #tpu.memory_space<vmem_shared>>
      tpu.enqueue_dma source(%arg7 : memref<640xf32, #tpu.memory_space<vmem>>) target(%dma_start3A_270 : memref<640xf32, #tpu.memory_space<vmem_shared>>) target_semaphore(%run_scoped3A : memref<!tpu.dma_semaphore, #tpu.memory_space<semaphore_mem>>)
      %dma_wait3A_271 = tpu.memref_slice %arg18[%mul3A_204] : memref<10240xf32, #tpu.memory_space<vmem_shared>> -> memref<640xf32, #tpu.memory_space<vmem_shared>>
      %dma_wait3A_272 = tpu.memref_slice %arg18[%mul3A_204] : memref<10240xf32, #tpu.memory_space<vmem_shared>> -> memref<640xf32, #tpu.memory_space<vmem_shared>>
      tpu.wait_dma2 semaphore(%run_scoped3A : memref<!tpu.dma_semaphore, #tpu.memory_space<semaphore_mem>>) src(%arg7 : memref<640xf32, #tpu.memory_space<vmem>>) dst(%dma_wait3A_272 : memref<640xf32, #tpu.memory_space<vmem_shared>>)
      tpu.yield
    }) : () -> ()
    %dma_wait3A = arith.constant 0 : i32
    %dma_wait3A_205 = tpu.memref_slice %arg2[%dma_wait3A, %mul3A_9] : memref<2x320000xi32, #tpu.memory_space<hbm>> -> memref<2x10112xi32, #tpu.memory_space<hbm>>
    %dma_wait3A_206 = arith.constant 0 : i32
    %dma_wait3A_207 = tpu.memref_slice %arg2[%dma_wait3A_206, %mul3A_9] : memref<2x320000xi32, #tpu.memory_space<hbm>> -> memref<2x10112xi32, #tpu.memory_space<hbm>>
    tpu.wait_dma2 semaphore(%arg19 : memref<!tpu.dma_semaphore, #tpu.memory_space<semaphore_mem>>) src(%dma_wait3A_207 : memref<2x10112xi32, #tpu.memory_space<hbm>>) dst(%arg15 : memref<2x10112xi32, #tpu.memory_space<vmem>>)
    %barrier3A = arith.constant 0 : index
    tpu.barrier barrier_id(%barrier3A)
    %while3A = arith.constant 0 : i32
    %while3A_208 = arith.constant 0 : i32
    "tpu.trace_stop"() : () -> ()
    "tpu.trace_start"() <{level = 10 : i32, message = "hist_scatter"}> : () -> ()
    %while3A_209 = arith.subi %select_n3A, %while3A_208 : i32
    %while3A_210 = arith.addi %while3A_208, %while3A_209 : i32
    %while3A_211 = arith.constant 1 : i32
    %while3A_212 = arith.divsi %while3A_209, %while3A_211 : i32
    %while3A_213 = arith.muli %while3A_212, %while3A_211 : i32
    %while3A_214 = arith.addi %while3A_208, %while3A_213 : i32
    %while3A_215 = arith.constant 1 : i32
    scf.for %while3A_269 = %while3A_208 to %while3A_214 step %while3A_215  : i32 {
      %mul3A_270 = arith.constant 128 : i32
      %mul3A_271 = arith.muli %while3A_269, %mul3A_270 : i32
      %dma_start3A_272 = arith.constant 1 : i32
      %dma_start3A_273 = arith.constant 0 : i32
      %dma_start3A_274 = tpu.memref_slice %arg8[%dma_start3A_273] : memref<128xf32, #tpu.memory_space<vmem>> -> memref<128xf32, #tpu.memory_space<vmem>>
      %dma_start3A_275 = tpu.memref_slice %arg15[%dma_start3A_272, %mul3A_271] : memref<2x10112xi32, #tpu.memory_space<vmem>> -> memref<1x128xi32, #tpu.memory_space<vmem>>
      %dma_start3A_276 = tpu.memref_squeeze %dma_start3A_275 : memref<1x128xi32, #tpu.memory_space<vmem>> -> memref<128xi32, #tpu.memory_space<vmem>>
      %dma_start3A_277 = arith.constant 0 : i32
      %dma_start3A_278 = tpu.memref_slice %arg18[%dma_start3A_277] : memref<10240xf32, #tpu.memory_space<vmem_shared>> -> memref<10240xf32, #tpu.memory_space<vmem_shared>>
      tpu.enqueue_indirect_dma source(%dma_start3A_274 : memref<128xf32, #tpu.memory_space<vmem>>) target(%dma_start3A_278 : memref<10240xf32, #tpu.memory_space<vmem_shared>>) offsets(%dma_start3A_276 : memref<128xi32, #tpu.memory_space<vmem>>) semaphore(%arg19 : memref<!tpu.dma_semaphore, #tpu.memory_space<semaphore_mem>>) {add = true}
    }
    %while3A_216 = arith.constant 1 : i32
    scf.for %while3A_269 = %while3A_214 to %while3A_210 step %while3A_216  : i32 {
      %mul3A_270 = arith.constant 128 : i32
      %mul3A_271 = arith.muli %while3A_269, %mul3A_270 : i32
      %dma_start3A_272 = arith.constant 1 : i32
      %dma_start3A_273 = arith.constant 0 : i32
      %dma_start3A_274 = tpu.memref_slice %arg8[%dma_start3A_273] : memref<128xf32, #tpu.memory_space<vmem>> -> memref<128xf32, #tpu.memory_space<vmem>>
      %dma_start3A_275 = tpu.memref_slice %arg15[%dma_start3A_272, %mul3A_271] : memref<2x10112xi32, #tpu.memory_space<vmem>> -> memref<1x128xi32, #tpu.memory_space<vmem>>
      %dma_start3A_276 = tpu.memref_squeeze %dma_start3A_275 : memref<1x128xi32, #tpu.memory_space<vmem>> -> memref<128xi32, #tpu.memory_space<vmem>>
      %dma_start3A_277 = arith.constant 0 : i32
      %dma_start3A_278 = tpu.memref_slice %arg18[%dma_start3A_277] : memref<10240xf32, #tpu.memory_space<vmem_shared>> -> memref<10240xf32, #tpu.memory_space<vmem_shared>>
      tpu.enqueue_indirect_dma source(%dma_start3A_274 : memref<128xf32, #tpu.memory_space<vmem>>) target(%dma_start3A_278 : memref<10240xf32, #tpu.memory_space<vmem_shared>>) offsets(%dma_start3A_276 : memref<128xi32, #tpu.memory_space<vmem>>) semaphore(%arg19 : memref<!tpu.dma_semaphore, #tpu.memory_space<semaphore_mem>>) {add = true}
    }
    %dma_start3A_217 = arith.constant 0 : i32
    %dma_start3A_218 = tpu.memref_slice %arg4[%dma_start3A_217] : memref<20000xf32, #tpu.memory_space<hbm>> -> memref<10000xf32, #tpu.memory_space<hbm>>
    %dma_start3A_219 = arith.constant 0 : i32
    %dma_start3A_220 = tpu.memref_slice %arg4[%dma_start3A_219] : memref<20000xf32, #tpu.memory_space<hbm>> -> memref<10000xf32, #tpu.memory_space<hbm>>
    tpu.enqueue_dma source(%dma_start3A_220 : memref<10000xf32, #tpu.memory_space<hbm>>) target(%arg11 : memref<10000xf32, #tpu.memory_space<vmem>>) target_semaphore(%arg20 : memref<!tpu.dma_semaphore, #tpu.memory_space<semaphore_mem>>)
    %dma_start3A_221 = arith.constant 10000 : i32
    %dma_start3A_222 = tpu.memref_slice %arg4[%dma_start3A_221] : memref<20000xf32, #tpu.memory_space<hbm>> -> memref<10000xf32, #tpu.memory_space<hbm>>
    %dma_start3A_223 = arith.constant 10000 : i32
    %dma_start3A_224 = tpu.memref_slice %arg4[%dma_start3A_223] : memref<20000xf32, #tpu.memory_space<hbm>> -> memref<10000xf32, #tpu.memory_space<hbm>>
    tpu.enqueue_dma source(%dma_start3A_224 : memref<10000xf32, #tpu.memory_space<hbm>>) target(%arg12 : memref<10000xf32, #tpu.memory_space<vmem>>) target_semaphore(%arg21 : memref<!tpu.dma_semaphore, #tpu.memory_space<semaphore_mem>>)
    %dma_start3A_225 = tpu.memref_slice %arg3[%mul3A_9] : memref<320000xf32, #tpu.memory_space<hbm>> -> memref<10112xf32, #tpu.memory_space<hbm>>
    %dma_start3A_226 = tpu.memref_slice %arg3[%mul3A_9] : memref<320000xf32, #tpu.memory_space<hbm>> -> memref<10112xf32, #tpu.memory_space<hbm>>
    tpu.enqueue_dma source(%dma_start3A_226 : memref<10112xf32, #tpu.memory_space<hbm>>) target(%arg16 : memref<10112xf32, #tpu.memory_space<vmem>>) target_semaphore(%arg21 : memref<!tpu.dma_semaphore, #tpu.memory_space<semaphore_mem>>)
    %while3A_227 = arith.constant 0 : i32
    %while3A_228 = arith.constant 0 : i32
    %while3A_229 = arith.subi %select_n3A, %while3A_228 : i32
    %while3A_230 = arith.addi %while3A_228, %while3A_229 : i32
    %while3A_231 = arith.constant 1 : i32
    %while3A_232 = arith.divsi %while3A_229, %while3A_231 : i32
    %while3A_233 = arith.muli %while3A_232, %while3A_231 : i32
    %while3A_234 = arith.addi %while3A_228, %while3A_233 : i32
    %while3A_235 = arith.constant 1 : i32
    scf.for %while3A_269 = %while3A_228 to %while3A_234 step %while3A_235  : i32 {
      %mul3A_270 = arith.constant 128 : i32
      %mul3A_271 = arith.muli %while3A_269, %mul3A_270 : i32
      %dma_wait3A_272 = arith.constant 1 : i32
      %dma_wait3A_273 = arith.constant 0 : i32
      %dma_wait3A_274 = tpu.memref_slice %arg8[%dma_wait3A_273] : memref<128xf32, #tpu.memory_space<vmem>> -> memref<128xf32, #tpu.memory_space<vmem>>
      %dma_wait3A_275 = tpu.memref_slice %arg15[%dma_wait3A_272, %mul3A_271] : memref<2x10112xi32, #tpu.memory_space<vmem>> -> memref<1x128xi32, #tpu.memory_space<vmem>>
      %dma_wait3A_276 = tpu.memref_squeeze %dma_wait3A_275 : memref<1x128xi32, #tpu.memory_space<vmem>> -> memref<128xi32, #tpu.memory_space<vmem>>
      %dma_wait3A_277 = arith.constant 0 : i32
      %dma_wait3A_278 = tpu.memref_slice %arg18[%dma_wait3A_277] : memref<10240xf32, #tpu.memory_space<vmem_shared>> -> memref<10240xf32, #tpu.memory_space<vmem_shared>>
      tpu.wait_indirect_dma semaphore(%arg19 : memref<!tpu.dma_semaphore, #tpu.memory_space<semaphore_mem>>) src(%dma_wait3A_274 : memref<128xf32, #tpu.memory_space<vmem>>) dst(%dma_wait3A_278 : memref<10240xf32, #tpu.memory_space<vmem_shared>>)
    }
    %while3A_236 = arith.constant 1 : i32
    scf.for %while3A_269 = %while3A_234 to %while3A_230 step %while3A_236  : i32 {
      %mul3A_270 = arith.constant 128 : i32
      %mul3A_271 = arith.muli %while3A_269, %mul3A_270 : i32
      %dma_wait3A_272 = arith.constant 1 : i32
      %dma_wait3A_273 = arith.constant 0 : i32
      %dma_wait3A_274 = tpu.memref_slice %arg8[%dma_wait3A_273] : memref<128xf32, #tpu.memory_space<vmem>> -> memref<128xf32, #tpu.memory_space<vmem>>
      %dma_wait3A_275 = tpu.memref_slice %arg15[%dma_wait3A_272, %mul3A_271] : memref<2x10112xi32, #tpu.memory_space<vmem>> -> memref<1x128xi32, #tpu.memory_space<vmem>>
      %dma_wait3A_276 = tpu.memref_squeeze %dma_wait3A_275 : memref<1x128xi32, #tpu.memory_space<vmem>> -> memref<128xi32, #tpu.memory_space<vmem>>
      %dma_wait3A_277 = arith.constant 0 : i32
      %dma_wait3A_278 = tpu.memref_slice %arg18[%dma_wait3A_277] : memref<10240xf32, #tpu.memory_space<vmem_shared>> -> memref<10240xf32, #tpu.memory_space<vmem_shared>>
      tpu.wait_indirect_dma semaphore(%arg19 : memref<!tpu.dma_semaphore, #tpu.memory_space<semaphore_mem>>) src(%dma_wait3A_274 : memref<128xf32, #tpu.memory_space<vmem>>) dst(%dma_wait3A_278 : memref<10240xf32, #tpu.memory_space<vmem_shared>>)
    }
    %barrier3A_237 = arith.constant 0 : index
    tpu.barrier barrier_id(%barrier3A_237)
    %eq3A = arith.constant 0 : i32
    "tpu.trace_stop"() : () -> ()
    "tpu.trace_start"() <{level = 10 : i32, message = "exchange"}> : () -> ()
    %eq3A_238 = arith.cmpi eq, %arg1, %eq3A : i32
    %convert_element_type3A = arith.extui %eq3A_238 : i1 to i32
    %cond3A = arith.constant 0 : i32
    %cond3A_239 = arith.cmpi ne, %convert_element_type3A, %cond3A : i32
    scf.if %cond3A_239 {
      %mul3A_269 = arith.constant 10240 : i32
      %mul3A_270 = arith.muli %arg0, %mul3A_269 : i32
      "tpu.region"() ({
        %run_scoped3A = tpu.sem_alloc : memref<!tpu.dma_semaphore, #tpu.memory_space<semaphore_mem>>
        %dma_start3A_281 = tpu.memref_slice %arg6[%mul3A_270] : memref<20480xf32, #tpu.memory_space<hbm>> -> memref<10240xf32, #tpu.memory_space<hbm>>
        tpu.enqueue_dma source(%arg18 : memref<10240xf32, #tpu.memory_space<vmem_shared>>) target(%dma_start3A_281 : memref<10240xf32, #tpu.memory_space<hbm>>) target_semaphore(%run_scoped3A : memref<!tpu.dma_semaphore, #tpu.memory_space<semaphore_mem>>)
        %dma_wait3A_282 = tpu.memref_slice %arg6[%mul3A_270] : memref<20480xf32, #tpu.memory_space<hbm>> -> memref<10240xf32, #tpu.memory_space<hbm>>
        tpu.wait_dma2 semaphore(%run_scoped3A : memref<!tpu.dma_semaphore, #tpu.memory_space<semaphore_mem>>) src(%arg18 : memref<10240xf32, #tpu.memory_space<vmem_shared>>) dst(%dma_wait3A_282 : memref<10240xf32, #tpu.memory_space<hbm>>)
        tpu.yield
      }) : () -> ()
      %ne3A = arith.constant 0 : i32
      "tpu.trace_start"() <{level = 10 : i32, message = "sync_cores"}> : () -> ()
      %ne3A_271 = arith.cmpi ne, %arg0, %ne3A : i32
      %convert_element_type3A_272 = arith.extui %ne3A_271 : i1 to i32
      %cond3A_273 = arith.constant 0 : i32
      %cond3A_274 = arith.cmpi ne, %convert_element_type3A_272, %cond3A_273 : i32
      scf.if %cond3A_274 {
        %semaphore_signal3A = arith.constant 1 : i32
        %semaphore_signal3A_281 = arith.constant 0 : i32
        tpu.sem_signal %arg22, %semaphore_signal3A core_id %semaphore_signal3A_281 : memref<!tpu.semaphore, #tpu.memory_space<semaphore_mem>>
      } else {
      }
      %ne3A_275 = arith.constant 1 : i32
      %ne3A_276 = arith.cmpi ne, %arg0, %ne3A_275 : i32
      %convert_element_type3A_277 = arith.extui %ne3A_276 : i1 to i32
      %cond3A_278 = arith.constant 0 : i32
      %cond3A_279 = arith.cmpi ne, %convert_element_type3A_277, %cond3A_278 : i32
      scf.if %cond3A_279 {
        %semaphore_signal3A = arith.constant 1 : i32
        %semaphore_signal3A_281 = arith.constant 1 : i32
        tpu.sem_signal %arg22, %semaphore_signal3A core_id %semaphore_signal3A_281 : memref<!tpu.semaphore, #tpu.memory_space<semaphore_mem>>
      } else {
      }
      %semaphore_wait3A = arith.constant 1 : i32
      %semaphore_wait3A_280 = arith.constant true
      tpu.sem_wait %arg22, %semaphore_wait3A : memref<!tpu.semaphore, #tpu.memory_space<semaphore_mem>>
      "tpu.trace_stop"() : () -> ()
    } else {
    }
    %barrier3A_240 = arith.constant 0 : index
    tpu.barrier barrier_id(%barrier3A_240)
    %sub3A_241 = arith.constant 1 : i32
    %sub3A_242 = arith.subi %sub3A_241, %arg0 : i32
    %mul3A_243 = arith.constant 10240 : i32
    %mul3A_244 = arith.muli %sub3A_242, %mul3A_243 : i32
    %dma_start3A_245 = tpu.memref_slice %arg6[%mul3A_244] : memref<20480xf32, #tpu.memory_space<hbm>> -> memref<10240xf32, #tpu.memory_space<hbm>>
    %dma_start3A_246 = tpu.memref_slice %arg6[%mul3A_244] : memref<20480xf32, #tpu.memory_space<hbm>> -> memref<10240xf32, #tpu.memory_space<hbm>>
    tpu.enqueue_dma source(%dma_start3A_246 : memref<10240xf32, #tpu.memory_space<hbm>>) target(%arg10 : memref<10240xf32, #tpu.memory_space<vmem>>) target_semaphore(%arg20 : memref<!tpu.dma_semaphore, #tpu.memory_space<semaphore_mem>>)
    "tpu.region"() ({
      %run_scoped3A = tpu.sem_alloc : memref<!tpu.dma_semaphore, #tpu.memory_space<semaphore_mem>>
      tpu.enqueue_dma source(%arg18 : memref<10240xf32, #tpu.memory_space<vmem_shared>>) target(%arg9 : memref<10240xf32, #tpu.memory_space<vmem>>) target_semaphore(%run_scoped3A : memref<!tpu.dma_semaphore, #tpu.memory_space<semaphore_mem>>)
      tpu.wait_dma2 semaphore(%run_scoped3A : memref<!tpu.dma_semaphore, #tpu.memory_space<semaphore_mem>>) src(%arg18 : memref<10240xf32, #tpu.memory_space<vmem_shared>>) dst(%arg9 : memref<10240xf32, #tpu.memory_space<vmem>>)
      tpu.yield
    }) : () -> ()
    %dma_wait3A_247 = tpu.memref_slice %arg6[%mul3A_244] : memref<20480xf32, #tpu.memory_space<hbm>> -> memref<10240xf32, #tpu.memory_space<hbm>>
    %dma_wait3A_248 = tpu.memref_slice %arg6[%mul3A_244] : memref<20480xf32, #tpu.memory_space<hbm>> -> memref<10240xf32, #tpu.memory_space<hbm>>
    tpu.wait_dma2 semaphore(%arg20 : memref<!tpu.dma_semaphore, #tpu.memory_space<semaphore_mem>>) src(%dma_wait3A_248 : memref<10240xf32, #tpu.memory_space<hbm>>) dst(%arg10 : memref<10240xf32, #tpu.memory_space<vmem>>)
    %dma_wait3A_249 = arith.constant 0 : i32
    %dma_wait3A_250 = tpu.memref_slice %arg4[%dma_wait3A_249] : memref<20000xf32, #tpu.memory_space<hbm>> -> memref<10000xf32, #tpu.memory_space<hbm>>
    %dma_wait3A_251 = arith.constant 0 : i32
    %dma_wait3A_252 = tpu.memref_slice %arg4[%dma_wait3A_251] : memref<20000xf32, #tpu.memory_space<hbm>> -> memref<10000xf32, #tpu.memory_space<hbm>>
    tpu.wait_dma2 semaphore(%arg20 : memref<!tpu.dma_semaphore, #tpu.memory_space<semaphore_mem>>) src(%dma_wait3A_252 : memref<10000xf32, #tpu.memory_space<hbm>>) dst(%arg11 : memref<10000xf32, #tpu.memory_space<vmem>>)
    %parallel_loop3A = arith.constant 0 : i32
    %parallel_loop3A_253 = arith.constant 10000 : i32
    %parallel_loop3A_254 = arith.constant 16 : i32
    "tpu.trace_stop"() : () -> ()
    "tpu.trace_start"() <{level = 10 : i32, message = "table"}> : () -> ()
    scf.for %parallel_loop3A_269 = %parallel_loop3A to %parallel_loop3A_253 step %parallel_loop3A_254  : i32 {
      %parallel_loop3A_270 = arith.index_cast %parallel_loop3A_269 : i32 to index
      %parallel_loop3A_271 = tpu.vector_load %arg9[%parallel_loop3A_270] {strides = array<i32>} : memref<10240xf32, #tpu.memory_space<vmem>>, vector<16xf32>,
      %parallel_loop3A_272 = arith.index_cast %parallel_loop3A_269 : i32 to index
      %parallel_loop3A_273 = tpu.vector_load %arg10[%parallel_loop3A_272] {strides = array<i32>} : memref<10240xf32, #tpu.memory_space<vmem>>, vector<16xf32>,
      %parallel_loop3A_274 = arith.addf %parallel_loop3A_271, %parallel_loop3A_273 : vector<16xf32>
      %parallel_loop3A_275 = arith.constant 5.000000e-01 : f32
      %parallel_loop3A_276 = vector.broadcast %parallel_loop3A_275 : f32 to vector<16xf32>
      %parallel_loop3A_277 = arith.mulf %parallel_loop3A_274, %parallel_loop3A_276 : vector<16xf32>
      %parallel_loop3A_278 = tpu.bitcast %parallel_loop3A_274 : vector<16xf32> -> vector<16xi32>
      %parallel_loop3A_279 = arith.constant 1 : i32
      %parallel_loop3A_280 = vector.broadcast %parallel_loop3A_279 : i32 to vector<16xi32>
      %parallel_loop3A_281 = arith.shrsi %parallel_loop3A_278, %parallel_loop3A_280 : vector<16xi32>
      %parallel_loop3A_282 = arith.constant 1597463007 : i32
      %parallel_loop3A_283 = vector.broadcast %parallel_loop3A_282 : i32 to vector<16xi32>
      %parallel_loop3A_284 = arith.subi %parallel_loop3A_283, %parallel_loop3A_281 : vector<16xi32>
      %parallel_loop3A_285 = tpu.bitcast %parallel_loop3A_284 : vector<16xi32> -> vector<16xf32>
      %parallel_loop3A_286 = arith.mulf %parallel_loop3A_277, %parallel_loop3A_285 : vector<16xf32>
      %parallel_loop3A_287 = arith.mulf %parallel_loop3A_286, %parallel_loop3A_285 : vector<16xf32>
      %parallel_loop3A_288 = arith.constant 1.500000e+00 : f32
      %parallel_loop3A_289 = vector.broadcast %parallel_loop3A_288 : f32 to vector<16xf32>
      %parallel_loop3A_290 = arith.subf %parallel_loop3A_289, %parallel_loop3A_287 : vector<16xf32>
      %parallel_loop3A_291 = arith.mulf %parallel_loop3A_285, %parallel_loop3A_290 : vector<16xf32>
      %parallel_loop3A_292 = arith.mulf %parallel_loop3A_277, %parallel_loop3A_291 : vector<16xf32>
      %parallel_loop3A_293 = arith.mulf %parallel_loop3A_292, %parallel_loop3A_291 : vector<16xf32>
      %parallel_loop3A_294 = arith.constant 1.500000e+00 : f32
      %parallel_loop3A_295 = vector.broadcast %parallel_loop3A_294 : f32 to vector<16xf32>
      %parallel_loop3A_296 = arith.subf %parallel_loop3A_295, %parallel_loop3A_293 : vector<16xf32>
      %parallel_loop3A_297 = arith.mulf %parallel_loop3A_291, %parallel_loop3A_296 : vector<16xf32>
      %parallel_loop3A_298 = arith.mulf %parallel_loop3A_277, %parallel_loop3A_297 : vector<16xf32>
      %parallel_loop3A_299 = arith.mulf %parallel_loop3A_298, %parallel_loop3A_297 : vector<16xf32>
      %parallel_loop3A_300 = arith.constant 1.500000e+00 : f32
      %parallel_loop3A_301 = vector.broadcast %parallel_loop3A_300 : f32 to vector<16xf32>
      %parallel_loop3A_302 = arith.subf %parallel_loop3A_301, %parallel_loop3A_299 : vector<16xf32>
      %parallel_loop3A_303 = arith.mulf %parallel_loop3A_297, %parallel_loop3A_302 : vector<16xf32>
      %parallel_loop3A_304 = arith.constant 0.000000e+00 : f32
      %parallel_loop3A_305 = vector.broadcast %parallel_loop3A_304 : f32 to vector<16xf32>
      %parallel_loop3A_306 = arith.cmpf oeq, %parallel_loop3A_274, %parallel_loop3A_305 : vector<16xf32>
      %parallel_loop3A_307 = arith.constant 0x7F800000 : f32
      %parallel_loop3A_308 = vector.broadcast %parallel_loop3A_307 : f32 to vector<16xf32>
      %parallel_loop3A_309 = arith.select %parallel_loop3A_306, %parallel_loop3A_308, %parallel_loop3A_303 : vector<16xi1>, vector<16xf32>
      %parallel_loop3A_310 = arith.index_cast %parallel_loop3A_269 : i32 to index
      %parallel_loop3A_311 = tpu.vector_load %arg13[%parallel_loop3A_310] {strides = array<i32>} : memref<10000xf32, #tpu.memory_space<vmem>>, vector<16xf32>,
      tpu.vector_store %arg13[%parallel_loop3A_310], %parallel_loop3A_309 {strides = array<i32>} : memref<10000xf32, #tpu.memory_space<vmem>>, vector<16xf32>,
      %parallel_loop3A_312 = arith.index_cast %parallel_loop3A_269 : i32 to index
      %parallel_loop3A_313 = tpu.vector_load %arg11[%parallel_loop3A_312] {strides = array<i32>} : memref<10000xf32, #tpu.memory_space<vmem>>, vector<16xf32>,
      %parallel_loop3A_314 = arith.mulf %parallel_loop3A_309, %parallel_loop3A_313 : vector<16xf32>
      %parallel_loop3A_315 = arith.index_cast %parallel_loop3A_269 : i32 to index
      %parallel_loop3A_316 = tpu.vector_load %arg14[%parallel_loop3A_315] {strides = array<i32>} : memref<10000xf32, #tpu.memory_space<vmem>>, vector<16xf32>,
      tpu.vector_store %arg14[%parallel_loop3A_315], %parallel_loop3A_314 {strides = array<i32>} : memref<10000xf32, #tpu.memory_space<vmem>>, vector<16xf32>,
    } {sc.loop_unroll_factor = 4 : i64, sc.parallel_access}
    "tpu.trace_stop"() : () -> ()
    "tpu.trace_start"() <{level = 10 : i32, message = "wait_edges"}> : () -> ()
    %dma_wait3A_255 = arith.constant 10000 : i32
    %dma_wait3A_256 = tpu.memref_slice %arg4[%dma_wait3A_255] : memref<20000xf32, #tpu.memory_space<hbm>> -> memref<10000xf32, #tpu.memory_space<hbm>>
    %dma_wait3A_257 = arith.constant 10000 : i32
    %dma_wait3A_258 = tpu.memref_slice %arg4[%dma_wait3A_257] : memref<20000xf32, #tpu.memory_space<hbm>> -> memref<10000xf32, #tpu.memory_space<hbm>>
    tpu.wait_dma2 semaphore(%arg21 : memref<!tpu.dma_semaphore, #tpu.memory_space<semaphore_mem>>) src(%dma_wait3A_258 : memref<10000xf32, #tpu.memory_space<hbm>>) dst(%arg12 : memref<10000xf32, #tpu.memory_space<vmem>>)
    %dma_wait3A_259 = tpu.memref_slice %arg3[%mul3A_9] : memref<320000xf32, #tpu.memory_space<hbm>> -> memref<10112xf32, #tpu.memory_space<hbm>>
    %dma_wait3A_260 = tpu.memref_slice %arg3[%mul3A_9] : memref<320000xf32, #tpu.memory_space<hbm>> -> memref<10112xf32, #tpu.memory_space<hbm>>
    tpu.wait_dma2 semaphore(%arg21 : memref<!tpu.dma_semaphore, #tpu.memory_space<semaphore_mem>>) src(%dma_wait3A_260 : memref<10112xf32, #tpu.memory_space<hbm>>) dst(%arg16 : memref<10112xf32, #tpu.memory_space<vmem>>)
    %parallel_loop3A_261 = arith.constant 0 : i32
    %parallel_loop3A_262 = arith.constant 10112 : i32
    %parallel_loop3A_263 = arith.constant 16 : i32
    "tpu.trace_stop"() : () -> ()
    "tpu.trace_start"() <{level = 10 : i32, message = "edges"}> : () -> ()
    scf.for %parallel_loop3A_269 = %parallel_loop3A_261 to %parallel_loop3A_262 step %parallel_loop3A_263  : i32 {
      %parallel_loop3A_270 = arith.constant 0 : i32
      %parallel_loop3A_271 = arith.index_cast %parallel_loop3A_270 : i32 to index
      %parallel_loop3A_272 = arith.index_cast %parallel_loop3A_269 : i32 to index
      %parallel_loop3A_273 = tpu.vector_load %arg15[%parallel_loop3A_271, %parallel_loop3A_272] {strides = array<i32>} : memref<2x10112xi32, #tpu.memory_space<vmem>>, vector<16xi32>,
      %parallel_loop3A_274 = arith.constant 1 : i32
      %parallel_loop3A_275 = arith.index_cast %parallel_loop3A_274 : i32 to index
      %parallel_loop3A_276 = arith.index_cast %parallel_loop3A_269 : i32 to index
      %parallel_loop3A_277 = tpu.vector_load %arg15[%parallel_loop3A_275, %parallel_loop3A_276] {strides = array<i32>} : memref<2x10112xi32, #tpu.memory_space<vmem>>, vector<16xi32>,
      %parallel_loop3A_278 = tpu.vector_load_idx %arg13[%parallel_loop3A_273] : memref<10000xf32, #tpu.memory_space<vmem>>[vector<16xi32>], vector<16xf32>,
      %parallel_loop3A_279 = tpu.vector_load_idx %arg12[%parallel_loop3A_273] : memref<10000xf32, #tpu.memory_space<vmem>>[vector<16xi32>], vector<16xf32>,
      %parallel_loop3A_280 = tpu.vector_load_idx %arg14[%parallel_loop3A_277] : memref<10000xf32, #tpu.memory_space<vmem>>[vector<16xi32>], vector<16xf32>,
      %parallel_loop3A_281 = arith.index_cast %parallel_loop3A_269 : i32 to index
      %parallel_loop3A_282 = tpu.vector_load %arg16[%parallel_loop3A_281] {strides = array<i32>} : memref<10112xf32, #tpu.memory_space<vmem>>, vector<16xf32>,
      %parallel_loop3A_283 = arith.mulf %parallel_loop3A_278, %parallel_loop3A_280 : vector<16xf32>
      %parallel_loop3A_284 = arith.addf %parallel_loop3A_283, %parallel_loop3A_279 : vector<16xf32>
      %parallel_loop3A_285 = arith.mulf %parallel_loop3A_282, %parallel_loop3A_284 : vector<16xf32>
      %parallel_loop3A_286 = arith.index_cast %parallel_loop3A_269 : i32 to index
      %parallel_loop3A_287 = tpu.vector_load %arg17[%parallel_loop3A_286] {strides = array<i32>} : memref<10112xf32, #tpu.memory_space<vmem>>, vector<16xf32>,
      tpu.vector_store %arg17[%parallel_loop3A_286], %parallel_loop3A_285 {strides = array<i32>} : memref<10112xf32, #tpu.memory_space<vmem>>, vector<16xf32>,
    } {sc.loop_unroll_factor = 4 : i64, sc.parallel_access}
    "tpu.trace_stop"() : () -> ()
    "tpu.trace_start"() <{level = 10 : i32, message = "wb"}> : () -> ()
    "tpu.region"() ({
      %run_scoped3A = tpu.sem_alloc : memref<!tpu.dma_semaphore, #tpu.memory_space<semaphore_mem>>
      %dma_start3A_269 = arith.constant 0 : i32
      %dma_start3A_270 = tpu.memref_slice %arg17[%dma_start3A_269] : memref<10112xf32, #tpu.memory_space<vmem>> -> memref<9984xf32, #tpu.memory_space<vmem>>
      %dma_start3A_271 = tpu.memref_slice %arg5[%mul3A_9] : memref<320000xf32, #tpu.memory_space<hbm>> -> memref<9984xf32, #tpu.memory_space<hbm>>
      %dma_start3A_272 = tpu.memref_slice %arg5[%mul3A_9] : memref<320000xf32, #tpu.memory_space<hbm>> -> memref<9984xf32, #tpu.memory_space<hbm>>
      %dma_start3A_273 = arith.constant 0 : i32
      %dma_start3A_274 = tpu.memref_slice %arg17[%dma_start3A_273] : memref<10112xf32, #tpu.memory_space<vmem>> -> memref<9984xf32, #tpu.memory_space<vmem>>
      tpu.enqueue_dma source(%dma_start3A_274 : memref<9984xf32, #tpu.memory_space<vmem>>) target(%dma_start3A_272 : memref<9984xf32, #tpu.memory_space<hbm>>) target_semaphore(%run_scoped3A : memref<!tpu.dma_semaphore, #tpu.memory_space<semaphore_mem>>)
      %dma_wait3A_275 = arith.constant 0 : i32
      %dma_wait3A_276 = tpu.memref_slice %arg17[%dma_wait3A_275] : memref<10112xf32, #tpu.memory_space<vmem>> -> memref<9984xf32, #tpu.memory_space<vmem>>
      %dma_wait3A_277 = tpu.memref_slice %arg5[%mul3A_9] : memref<320000xf32, #tpu.memory_space<hbm>> -> memref<9984xf32, #tpu.memory_space<hbm>>
      %dma_wait3A_278 = tpu.memref_slice %arg5[%mul3A_9] : memref<320000xf32, #tpu.memory_space<hbm>> -> memref<9984xf32, #tpu.memory_space<hbm>>
      %dma_wait3A_279 = arith.constant 0 : i32
      %dma_wait3A_280 = tpu.memref_slice %arg17[%dma_wait3A_279] : memref<10112xf32, #tpu.memory_space<vmem>> -> memref<9984xf32, #tpu.memory_space<vmem>>
      tpu.wait_dma2 semaphore(%run_scoped3A : memref<!tpu.dma_semaphore, #tpu.memory_space<semaphore_mem>>) src(%dma_wait3A_280 : memref<9984xf32, #tpu.memory_space<vmem>>) dst(%dma_wait3A_278 : memref<9984xf32, #tpu.memory_space<hbm>>)
      tpu.yield
    }) : () -> ()
    %ge3A_264 = arith.constant 28 : i32
    %ge3A_265 = arith.cmpi sge, %add3A, %ge3A_264 : i32
    %convert_element_type3A_266 = arith.extui %ge3A_265 : i1 to i32
    %cond3A_267 = arith.constant 0 : i32
    %cond3A_268 = arith.cmpi ne, %convert_element_type3A_266, %cond3A_267 : i32
    scf.if %cond3A_268 {
      %add3A_269 = arith.constant 9984 : i32
      %add3A_270 = arith.addi %mul3A_9, %add3A_269 : i32
      "tpu.region"() ({
        %run_scoped3A = tpu.sem_alloc : memref<!tpu.dma_semaphore, #tpu.memory_space<semaphore_mem>>
        %dma_start3A_271 = arith.constant 9984 : i32
        %dma_start3A_272 = tpu.memref_slice %arg17[%dma_start3A_271] : memref<10112xf32, #tpu.memory_space<vmem>> -> memref<128xf32, #tpu.memory_space<vmem>>
        %dma_start3A_273 = tpu.memref_slice %arg5[%add3A_270] : memref<320000xf32, #tpu.memory_space<hbm>> -> memref<128xf32, #tpu.memory_space<hbm>>
        %dma_start3A_274 = tpu.memref_slice %arg5[%add3A_270] : memref<320000xf32, #tpu.memory_space<hbm>> -> memref<128xf32, #tpu.memory_space<hbm>>
        %dma_start3A_275 = arith.constant 9984 : i32
        %dma_start3A_276 = tpu.memref_slice %arg17[%dma_start3A_275] : memref<10112xf32, #tpu.memory_space<vmem>> -> memref<128xf32, #tpu.memory_space<vmem>>
        tpu.enqueue_dma source(%dma_start3A_276 : memref<128xf32, #tpu.memory_space<vmem>>) target(%dma_start3A_274 : memref<128xf32, #tpu.memory_space<hbm>>) target_semaphore(%run_scoped3A : memref<!tpu.dma_semaphore, #tpu.memory_space<semaphore_mem>>)
        %dma_wait3A_277 = arith.constant 9984 : i32
        %dma_wait3A_278 = tpu.memref_slice %arg17[%dma_wait3A_277] : memref<10112xf32, #tpu.memory_space<vmem>> -> memref<128xf32, #tpu.memory_space<vmem>>
        %dma_wait3A_279 = tpu.memref_slice %arg5[%add3A_270] : memref<320000xf32, #tpu.memory_space<hbm>> -> memref<128xf32, #tpu.memory_space<hbm>>
        %dma_wait3A_280 = tpu.memref_slice %arg5[%add3A_270] : memref<320000xf32, #tpu.memory_space<hbm>> -> memref<128xf32, #tpu.memory_space<hbm>>
        %dma_wait3A_281 = arith.constant 9984 : i32
        %dma_wait3A_282 = tpu.memref_slice %arg17[%dma_wait3A_281] : memref<10112xf32, #tpu.memory_space<vmem>> -> memref<128xf32, #tpu.memory_space<vmem>>
        tpu.wait_dma2 semaphore(%run_scoped3A : memref<!tpu.dma_semaphore, #tpu.memory_space<semaphore_mem>>) src(%dma_wait3A_282 : memref<128xf32, #tpu.memory_space<vmem>>) dst(%dma_wait3A_280 : memref<128xf32, #tpu.memory_space<hbm>>)
        tpu.yield
      }) : () -> ()
    } else {
    }
    "tpu.trace_stop"() : () -> ()
    return
  }
}

module attributes {stable_mosaic.version = 14 : i64} {
  func.func @_mv_body(%arg0: memref<10000x128xf32, #tpu.memory_space<vmem>>, %arg1: memref<1x128xf32, #tpu.memory_space<vmem>>, %arg2: memref<1x128xf32, #tpu.memory_space<vmem>>, %arg3: memref<1x1xf32, #tpu.memory_space<vmem>>, %arg4: memref<1x1xf32, #tpu.memory_space<vmem>>, %arg5: memref<20000xf32, #tpu.memory_space<vmem>>) attributes {dimension_semantics = [], scalar_prefetch = 0 : i64, scratch_operands = 0 : i64, tpu.core_type = #tpu.core_type<tc>} {
    %get3A = arith.constant 0 : index
    %get3A_0 = arith.constant 0 : index
    %get3A_1 = vector.load %arg1[%get3A, %get3A_0] : memref<1x128xf32, #tpu.memory_space<vmem>>, vector<1x128xf32>
    %get3A_2 = arith.constant 0 : index
    %get3A_3 = arith.constant 0 : index
    %get3A_4 = vector.load %arg2[%get3A_2, %get3A_3] : memref<1x128xf32, #tpu.memory_space<vmem>>, vector<1x128xf32>
    %concatenate3A = tpu.concatenate %get3A_1, %get3A_4 in 0 : vector<1x128xf32>, vector<1x128xf32> -> vector<2x128xf32>
    %get3A_5 = arith.constant 0 : index
    %get3A_6 = arith.constant 0 : index
    %get3A_7 = vector.load %arg3[%get3A_5, %get3A_6] : memref<1x1xf32, #tpu.memory_space<vmem>>, vector<1x1xf32>
    %get3A_8 = arith.constant 0 : index
    %get3A_9 = arith.constant 0 : index
    %get3A_10 = vector.load %arg4[%get3A_8, %get3A_9] : memref<1x1xf32, #tpu.memory_space<vmem>>, vector<1x1xf32>
    %concatenate3A_11 = tpu.concatenate %get3A_7, %get3A_10 in 0 : vector<1x1xf32>, vector<1x1xf32> -> vector<2x1xf32>
    %get3A_12 = arith.constant 0 : index
    %get3A_13 = arith.constant 0 : index
    %get3A_14 = vector.load %arg0[%get3A_12, %get3A_13] : memref<10000x128xf32, #tpu.memory_space<vmem>>, vector<10000x128xf32>
    %dot_general3A = arith.constant dense<0.000000e+00> : vector<2x10000xf32>
    %dot_general3A_15 = tpu.matmul %concatenate3A, %get3A_14, %dot_general3A {dimension_numbers = #tpu.dot_dimension_numbers<[1], [1], [0], [0], [0, 0, 1, 0], [], []>, transpose_lhs_hint = false} : vector<2x128xf32>, vector<10000x128xf32>, vector<2x10000xf32> -> vector<2x10000xf32>
    %add3A = vector.broadcast %concatenate3A_11 : vector<2x1xf32> to vector<2x10000xf32>
    %add3A_16 = arith.addf %dot_general3A_15, %add3A : vector<2x10000xf32>
    %max3A = arith.constant 0.000000e+00 : f32
    %max3A_17 = vector.broadcast %max3A : f32 to vector<2x10000xf32>
    %max3A_18 = arith.maximumf %add3A_16, %max3A_17 : vector<2x10000xf32>
    %slice3A = vector.extract_strided_slice %max3A_18 {offsets = [0, 0], sizes = [1, 10000], strides = [1, 1]} : vector<2x10000xf32> to vector<1x10000xf32>
    %squeeze3A = vector.shape_cast %slice3A : vector<1x10000xf32> to vector<10000xf32>
    %swap3A = arith.constant 0 : index
    %swap3A_19 = vector.load %arg5[%swap3A] : memref<20000xf32, #tpu.memory_space<vmem>>, vector<10000xf32>
    tpu.vector_store %arg5[%swap3A], %squeeze3A {strides = array<i32>} : memref<20000xf32, #tpu.memory_space<vmem>>, vector<10000xf32>,
    %slice3A_20 = vector.extract_strided_slice %max3A_18 {offsets = [1, 0], sizes = [1, 10000], strides = [1, 1]} : vector<2x10000xf32> to vector<1x10000xf32>
    %squeeze3A_21 = vector.shape_cast %slice3A_20 : vector<1x10000xf32> to vector<10000xf32>
    %swap3A_22 = arith.constant 10000 : index
    %swap3A_23 = vector.load %arg5[%swap3A_22] : memref<20000xf32, #tpu.memory_space<vmem>>, vector<10000xf32>
    tpu.vector_store %arg5[%swap3A_22], %squeeze3A_21 {strides = array<i32>} : memref<20000xf32, #tpu.memory_space<vmem>>, vector<10000xf32>,
    return
  }
}

</mosaic_0001>

<sc_bundles>
// kernel: kernel.4.cloned.1.call-start
scs
__scs_entry_jumppad:
0x0: {  	(pc) =	sbr.rel $0x88, $3  }
0x1: {  	(tag) =	ssettag $0x0;
	lr =	simm.s32 $0x1  }
0x2: {  	[smem:$0x3F9A] =	sst lr;
	_ =	strace $0xD0000000  }
0x3: {  	_ = 	snop  }
0x4: {  	_ = 	snop  }
0x5: {  	_ = 	snop  }
0x6: {  	_ = 	snop  }
0x7: {  	_ = 	snop  }
__scs_overlays_trampoline_lowered:
0x8: {  	[smem:$0x3FA9] =	sst s0  }
0x9: {  	[smem:$0x3FAA] =	sst s1  }
0xa: {  	[smem:$0x3FAB] =	sst s2  }
0xb: {  	[smem:$0x3FAC] =	sst s3  }
0xc: {  	[smem:$0x3FAD] =	sst s4  }
0xd: {  	[smem:$0x3FAE] =	sst s5  }
0xe: {  	[smem:$0x3FAF] =	sst s6  }
0xf: {  	[smem:$0x3FB0] =	sst s7  }
0x10: {  	[smem:$0x3FB1] =	sst s8  }
0x11: {  	[smem:$0x3FB2] =	sst s9;
	s0 =	simm.s32 @!p0 $0x0  }
0x12: {  	s1 =	sld [smem:$0x3F98];
	s0 =	simm.s32 @p0 $0x1  }
0x13: {  	[smem:$0x3FB3] =	sst s0;
	s0 =	simm.s32 @!p1 $0x0  }
0x14: {  	s2 =	sld [smem:$0x3F97];
	s0 =	simm.s32 @p1 $0x1  }
0x15: {  	[smem:$0x3FB4] =	sst s0;
	s0 =	simm.s32 @!p2 $0x0  }
0x16: {  	s3 =	sld [smem:$0x3FDB];
	s0 =	simm.s32 @p2 $0x1  }
0x17: {  	s4 =	simm.s32 $0x1BF5;
	[smem:$0x3FB6] =	sst s0  }
0x18: {  	s0 =	sld [smem:$0x3F99];
	_ =	swait.ge [sflag:s4], $0x0  }
0x19: {  	s7 =	sld [smem:$0x3F9A]  }
0x1a: {  	s8 =	sadd.s32 $0xFFFFE003, lr  }
0x1b: {  	s9 =	sadd.s32 $0xFFFFFEF7, lr;
	s5 =	simm.s32 $0xFFFFFFFF;
	p2 =	slt.u32 s8, $0xFFFFF086  }
0x1c: {  	p1 =	slt.u32 s9, $0xF7A;
	s5 =	simm.s32 @!p2 $0x0  }
0x1d: {  	s5 =	simm.s32 @p1 $0x1;
	p0 =	seq.s32 s7, s2  }
0x1e: {  	s7 =	smul.u32 @!p0 $0xF7A, s2;
	p2 =	seq.s32 @!p0 s5, $0x0  }
0x1f: {  	s9 =	smul.u32 $0xF7A, s1;
	s8 =	simm.s32 @!p0 $0x1BF5;
	p2 =	por !p2, p0  }
0x20: {  	[sflag:s8] =	ssyncset.s32 @!p0 $0xFFFFF086;
	s6 =	sadd.s32 @!p0 s3, s7;
	s7 =	simm.s32 @!p0 $0x108  }
0x21: {  	s3 =	sadd.s32 s3, s9;
	s6 =	sadd.s32 @!p0 $0x88, s6;
	s7 =	simm.s32 @p2 $0x1082  }
0x22: {  	[simem:s7], [sflag:s8] =	dma.local @!p0 [hbm:s6], $0xF7A  }
0x23: {  	s9 =	sor.u32 $0xD0000000, s2;
	s6 =	simm.s32 $0x108;
	_ =	swait.ge @!p0 [sflag:s8], $0x0  }
0x24: {  	s3 =	sadd.s32 $0x88, s3;
	s6 =	simm.s32 @!p1 $0x1082;
	[sflag:s4] =	ssyncset.s32 $0xFFFFF086  }
0x25: {  	[simem:s6], [sflag:s4] =	dma.local [hbm:s3], $0xF7A  }
0x26: {  	[smem:$0x3F9A] =	sst s1;
	(tag) =	ssettag s2;
	_ =	strace s9  }
0x27: {  	s1 =	sld [smem:$0x3FAA]  }
0x28: {  	s2 =	sld [smem:$0x3FAB]  }
0x29: {  	s4 =	sld [smem:$0x3FAD]  }
0x2a: {  	p0 =	seq.s32 s5, $0x0;
	s5 =	sld [smem:$0x3FAE]  }
0x2b: {  	s6 =	sld [smem:$0x3FAF]  }
0x2c: {  	s7 =	sld [smem:$0x3FB0]  }
0x2d: {  	s3 =	simm.s32 $0x108;
	s8 =	sld [smem:$0x3FB1]  }
0x2e: {  	s3 =	simm.s32 @!p0 $0x1082;
	s9 =	sld [smem:$0x3FB2]  }
0x2f: {  	lr =	sadd.s32 s0, s3;
	s0 =	sld [smem:$0x3FA9]  }
0x30: {  	s3 =	sld [smem:$0x3FAC]  }
0x31: {  	[smem:$0x3FB5] =	sst s10  }
0x32: {  	s10 =	sld [smem:$0x3FB3];
	_ =	sdelay $0x3  }
0x33: {  	p0 =	seq.s32 s10, $0x1;
	s10 =	sld [smem:$0x3FB5];
	_ =	sdelay $0x3  }
0x34: {  	[smem:$0x3FB5] =	sst s10  }
0x35: {  	s10 =	sld [smem:$0x3FB4];
	_ =	sdelay $0x3  }
0x36: {  	p1 =	seq.s32 s10, $0x1;
	s10 =	sld [smem:$0x3FB5];
	_ =	sdelay $0x3  }
0x37: {  	[smem:$0x3FB5] =	sst s10  }
0x38: {  	s10 =	sld [smem:$0x3FB6]  }
0x39: {  	_ = 	snop;
	(pc) =	sbr.ind lr, $3  }
0x3a: {  	_ = 	snop  }
0x3b: {  	_ = 	snop  }
0x3c: {  	p2 =	seq.s32 s10, $0x1;
	s10 =	sld [smem:$0x3FB5]  }
0x3d: {  	_ =	shalt  }
0x3e: {  	_ =	shalt  }
0x3f: {  	_ =	shalt  }
0x40: {  	_ =	shalt  }
0x41: {  	_ =	shalt  }
0x42: {  	_ =	shalt  }
0x43: {  	_ =	shalt  }
0x44: {  	_ =	shalt  }
0x45: {  	_ =	shalt  }
0x46: {  	_ =	shalt  }
0x47: {  	_ =	shalt  }
0x48: {  	_ =	shalt  }
0x49: {  	_ =	shalt  }
0x4a: {  	_ =	shalt  }
0x4b: {  	_ =	shalt  }
0x4c: {  	_ =	shalt  }
0x4d: {  	_ =	shalt  }
0x4e: {  	_ =	shalt  }
0x4f: {  	_ =	shalt  }
0x50: {  	_ =	shalt  }
0x51: {  	_ =	shalt  }
0x52: {  	_ =	shalt  }
0x53: {  	_ =	shalt  }
0x54: {  	_ =	shalt  }
0x55: {  	_ =	shalt  }
0x56: {  	_ =	shalt  }
0x57: {  	_ =	shalt  }
0x58: {  	_ =	shalt  }
0x59: {  	_ =	shalt  }
0x5a: {  	_ =	shalt  }
0x5b: {  	_ =	shalt  }
0x5c: {  	_ =	shalt  }
0x5d: {  	_ =	shalt  }
0x5e: {  	_ =	shalt  }
0x5f: {  	_ =	shalt  }
0x60: {  	_ =	shalt  }
0x61: {  	_ =	shalt  }
0x62: {  	_ =	shalt  }
0x63: {  	_ =	shalt  }
0x64: {  	_ =	shalt  }
0x65: {  	_ =	shalt  }
0x66: {  	_ =	shalt  }
0x67: {  	_ =	shalt  }
0x68: {  	_ =	shalt  }
0x69: {  	_ =	shalt  }
0x6a: {  	_ =	shalt  }
0x6b: {  	_ =	shalt  }
0x6c: {  	_ =	shalt  }
0x6d: {  	_ =	shalt  }
0x6e: {  	_ =	shalt  }
0x6f: {  	_ =	shalt  }
0x70: {  	_ =	shalt  }
0x71: {  	_ =	shalt  }
0x72: {  	_ =	shalt  }
0x73: {  	_ =	shalt  }
0x74: {  	_ =	shalt  }
0x75: {  	_ =	shalt  }
0x76: {  	_ =	shalt  }
0x77: {  	_ =	shalt  }
0x78: {  	_ =	shalt  }
0x79: {  	_ =	shalt  }
0x7a: {  	_ =	shalt  }
0x7b: {  	_ =	shalt  }
0x7c: {  	_ =	shalt  }
0x7d: {  	_ =	shalt  }
0x7e: {  	_ =	shalt  }
0x7f: {  	_ =	shalt  }
0x80: {  	_ =	shalt  }
0x81: {  	_ =	shalt  }
0x82: {  	_ =	shalt  }
0x83: {  	_ =	shalt  }
0x84: {  	_ =	shalt  }
0x85: {  	_ =	shalt  }
0x86: {  	_ =	shalt  }
0x87: {  	_ =	shalt  }
.Lfunc_end0:
.L_simem_size_0:
called_computation_lowered:
.L_overlay_start_0:
0x88: {  	s2 =	sld [smem:$0x3FD9]  }
0x89: {  	s3 =	sld [smem:$0x3FFE];
	_ =	sdelay $0x1  }
0x8a: {  	s1 =	srdreg.scid  }
0x8b: {  	s0 =	sand.u32 $0x1, s1  }
0x8c: {  	s14 =	sshll.u32 s0, $0xA;
	s2 =	sadd.s32 s3, s2  }
0x8d: {  	s2 =	sadd.s32 s2, s14  }
0x8e: {  	[smem:$0x3FC1] =	sst s2  }
0x8f: {  	_ = 	snop  }
0x90: {  	s2 =	sld [smem:$0x3FD0];
	_ =	sdelay $0x1  }
0x91: {  	s15 =	sld [smem:$0x3FC8]  }
0x92: {  	s5 =	simm.s32 $0xA;
	s6 =	simm.s32 $0x10;
	s4 =	sld [smem:$0x3FC7]  }
0x93: {  	[smem:s6], [sflag:s5] =	dma.local [hbm:s2], $0x1  }
0x94: {  	_ =	swait.eq [sflag:s5], $0x1  }
0x95: {  	[sflag:s5] =	ssyncset.done $0x0  }
0x96: {  	s16 =	sld [smem:$0x10];
	[sflag:s5] =	ssyncadd.s32 $0xFFFFFFFF  }
0x97: {  	s17 =	sld [smem:$0x11];
	(tm) =	ssettm $0x1  }
0x98: {  	s18 =	sld [smem:$0x3FFB];
	_ =	sdelay $0x3  }
0x99: {  	_ =	strace s18  }
0x9a: {  	s6 =	sld [smem:$0x3FFC];
	_ =	sdelay $0x3  }
0x9b: {  	_ =	strace s6  }
0x9c: {  	s6 =	sld [smem:$0x3FFD];
	_ =	sdelay $0x3  }
0x9d: {  	_ =	strace s6  }
0x9e: {  	_ =	strace $0x8FFFFFFF  }
0x9f: {  	s19 =	sld [smem:$0x3FDB];
	_ =	sdelay $0x1  }
0xa0: {  	s7 =	simm.s32 $_scs_section_size  }
0xa1: {  	s8 =	simm.s32 $_size__tile_overlayer_lowered;
	s9 =	simm.s32 $_tile_overlayer_lowered  }
0xa2: {  	s22 =	simm.s32 $0x1BFF;
	s21 =	sshll.u32 s9, $0x1;
	s6 =	sadd.s32 s7, s19  }
0xa3: {  	s10 =	simm.s32 $0x0;
	s20 =	sshll.u32 s8, $0x1;
	s8 =	sadd.s32 s21, s6  }
0xa4: {  	[timem:s10], [sflag:s22] =	dma.local [hbm:s8], s20  }
0xa5: {  	_ =	swait.ge [sflag:s22], s20  }
0xa6: {  	s7 =	ssub.s32 $0x0, s20;
	[sflag:s22] =	ssyncset.done $0x0  }
0xa7: {  	[sflag:s22] =	ssyncadd.s32 s7;
	_ =	sdelay $0x1  }
0xa8: {  	s23 =	simm.s32 $0x1B8B  }
0xa9: {  	_ =	swait.ge [sflag:s23], $0x1  }
0xaa: {  	[sflag:s23] =	ssyncset.done $0x0  }
0xab: {  	s25 =	simm.s32 $0x1B8E;
	s24 =	sld [smem:$0x3FFE];
	[sflag:s23] =	ssyncadd.s32 $0xFFFFFFFF  }
0xac: {  	s26 =	simm.s32 $execute0_lowered;
	[smem:$0x3FD2] =	sst s25  }
0xad: {  	s8 =	sshll.u32 s26, $0x1;
	_ =	strace $0x80000046;
	[dreg:$0x1] =	wrdreg $0xFFFFFFFF  }
0xae: {  	s28 =	simm.s32 $_size_execute0_lowered;
	s6 =	sadd.s32 s6, s8;
	[dreg:$0x0] =	wrdreg $0x0  }
0xaf: {  	s8 =	sshll.u32 s28, $0x1;
	[dreg:$0x2] =	wrdreg s6  }
0xb0: {  	[dreg:$0x3] =	wrdreg s8  }
0xb1: {  	[dreg:$0x4] =	wrdreg $0xC0  }
0xb2: {  	_ =	task [dreg:s10], $0x5FFFF  }
0xb3: {  	[dreg:$0x1] =	wrdreg $0xFFFFFFFF  }
0xb4: {  	[dreg:$0x0] =	wrdreg $0x60  }
0xb5: {  	[dreg:$0x2] =	wrdreg s15  }
0xb6: {  	[dreg:$0x3] =	wrdreg s4  }
0xb7: {  	[dreg:$0x4] =	wrdreg s16  }
0xb8: {  	[dreg:$0x5] =	wrdreg s17  }
0xb9: {  	[dreg:$0x6] =	wrdreg s24  }
0xba: {  	[dreg:$0x7] =	wrdreg $0x18F000  }
0xbb: {  	[dreg:$0x8] =	wrdreg $0x9  }
0xbc: {  	_ =	task.clear_ibuf [dreg:s10], $0x9FFFF;
	_ =	strace $0x90000046  }
0xbd: {  	s29 =	simm.s32 $0x9;
	_ =	strace $0x80000050  }
0xbe: {  	_ =	swait.ge [sflag:s29], $0x1  }
0xbf: {  	[sflag:s29] =	ssyncadd.s32 $0xFFFFFFFF  }
0xc0: {  	_ =	strace $0x90000050  }
0xc1: {  	_ =	sfence  }
0xc2: {  	s30 =	sld [smem:$0x0];
	_ =	sdelay $0x2  }
0xc3: {  	s31 =	sshll.u32 s1, $0xD;
	s1 =	sshrl.u32 s1, $0x2  }
0xc4: {  	s3 =	sand.u32 $0x4000, s31;
	s1 =	sadd.s32 s1, s30  }
0xc5: {  	s0 =	sor.u32 s3, s0;
	s1 =	sshll.u32 s1, $0x11  }
0xc6: {  	s0 =	sor.u32 s1, s0  }
0xc7: {  	s0 =	sadd.s32 $0x8F2B, s0  }
0xc8: {  	[sflag:s0] =	ssyncadd.remote.s32 $0x1  }
0xc9: {  	_ =	sfence.sel $0xFFFF  }
0xca: {  	[dreg:$0x0] =	wrdreg $0xFFFFFFFF;
	(pc) =	sbr.abs _section_cstart, $3  }
0xcb: {  	[dreg:$0x1] =	wrdreg $0xFFFFFFFF  }
0xcc: {  	_ =	task.clear_ibuf [dreg:s10], $0x2FFFF;
	_ =	strace $0x9FFFFFFF  }
0xcd: {  	(tm) =	ssettm $0x7FFFFFFF  }
tec
execute0_lowered:
.L_overlay_start_1:
0x0: {  	(tag) =	ssettag $0x1  }
0x1: {  	s0 =	rddreg [dreg:$0x0]  }
0x2: {  	s1 =	rddreg [dreg:$0x1]  }
0x3: {  	s11 =	rddreg [dreg:$0x2]  }
0x4: {  	s5 =	rddreg [dreg:$0x3]  }
0x5: {  	s4 =	rddreg [dreg:$0x4]  }
0x6: {  	s2 =	rddreg [dreg:$0x5]  }
0x7: {  	s14 =	srdreg.scid;
	s3 =	simm.s32 $0x0;
	s15 =	stileid.u32  }
0x8: {  	s28 =	simm.s32 $0x3;
	s29 =	simm.s32 $0xA200;
	s30 =	simm.s32 $0xC980  }
0x9: {  	s7 =	sand.u32 $0x1, s14;
	[smem:$0x7FF] =	sst s3;
	s12 =	sadd.s32 $0x1200, s4  }
0xa: {  	s17 =	smul.u32 $0xA00, s15;
	s4 =	simm.s32 $0x4F;
	s23 =	sadd.s32 $0x4E2, s11  }
0xb: {  	s26 =	sshrl.u32 s14, $0x2;
	s31 =	sand.u32 $0x3, s14;
	s6 =	sshll.u32 s7, $0x4  }
0xc: {  	_ =	strace $0x80000047;
	s16 =	ssub.s32 $0x2, s7;
	[dreg:$0x9] =	wrdreg s23  }
0xd: {  	s22 =	smul.u32 $0x500, s7;
	s10 =	sxor.u32 $0x1, s7;
	[dreg:$0xc] =	wrdreg s26  }
0xe: {  	s26 =	simm.s32 $0x2;
	s20 =	sor.u32 s15, s6;
	s24 =	smul.u32 $0x500, s10  }
0xf: {  	s9 =	sshrl.u32 s16, $0x1;
	s6 =	smul.u32 $0x4E, s20;
	s8 =	smax.u32 s20, $0x1C  }
0x10: {  	s16 =	ssub.s32 s16, s9;
	p0 =	sgt.u32 s20, $0x1B;
	s25 =	sadd.s32 s12, s22  }
0x11: {  	p1 =	slt.u32 s20, $0x1C;
	s4 =	simm.s32 @!p0 $0x4E;
	[dreg:$0xb] =	wrdreg s25  }
0x12: {  	s12 =	sadd.s32 s12, s24;
	s14 =	smax.u32 s16, $0x1;
	s16 =	simm.s32 $0x5  }
0x13: {  	p0 =	sne.s32 s15, $0x0;
	s6 =	sadd.s32 s6, s8;
	s8 =	sshrl.u32 s17, $0x2  }
0x14: {  	s17 =	simm.s32 $0x1;
	s18 =	sadd.s32 $0xFFFFFFE4, s6;
	s19 =	sadd.s32 s8, s2  }
0x15: {  	s6 =	sshll.u32 s18, $0x5;
	[dreg:$0x8] =	wrdreg s19;
	s21 =	sshll.u32 s18, $0x4  }
0x16: {  	s18 =	simm.s32 $0x80;
	s19 =	simm.s32 $0x280;
	s0 =	sadd.s32 s0, s6  }
0x17: {  	s1 =	sadd.s32 s1, s21;
	s11 =	sadd.s32 s5, s21;
	[dreg:$0x7] =	wrdreg s0  }
0x18: {  	s21 =	simm.s32 $0x7A80;
	[dreg:$0xa] =	wrdreg s1;
	s0 =	sxor.u32 $0x5, s31  }
0x19: {  	v0 =	vimm.f32 $0.0e+00;
	v1 =	vimm.f32 $1.000000000e+00;
	s13 =	sadd.s32 $0x4E0, s11;
	s23 =	sshll.u32 @!p0 s0, $0xE;
	s0 =	simm.s32 $0x0  }
.LBB2_1:
0x1a: {  	_ =	strace $0x80000048  }
0x1b: {  	s5 =	simm.s32 $0xF100;
	s1 =	rddreg [dreg:$0x7]  }
0x1c: {  	[tilespmem:s5], [sflag:$0x1] =	stream.linear.gather [hbm4b:s1+s3], $0x4F00, $0x200038;
	[tilespmem:$0x19180] =	vst v63  }
0x1d: {  	[tilespmem:$0x0] =	vst v0  }
0x1e: {  	[tilespmem:$0x10] =	vst v0  }
0x1f: {  	[tilespmem:$0x20] =	vst v0  }
0x20: {  	[tilespmem:$0x30] =	vst v0  }
0x21: {  	[tilespmem:$0x40] =	vst v0  }
0x22: {  	[tilespmem:$0x50] =	vst v0  }
0x23: {  	[tilespmem:$0x60] =	vst v0  }
0x24: {  	[tilespmem:$0x70] =	vst v0  }
0x25: {  	[tilespmem:$0x80] =	vst v0  }
0x26: {  	[tilespmem:$0x90] =	vst v0  }
0x27: {  	[tilespmem:$0xA0] =	vst v0  }
0x28: {  	[tilespmem:$0xB0] =	vst v0  }
0x29: {  	[tilespmem:$0xC0] =	vst v0  }
0x2a: {  	[tilespmem:$0xD0] =	vst v0  }
0x2b: {  	[tilespmem:$0xE0] =	vst v0  }
0x2c: {  	[tilespmem:$0xF0] =	vst v0  }
0x2d: {  	[tilespmem:$0x100] =	vst v0  }
0x2e: {  	[tilespmem:$0x110] =	vst v0  }
0x2f: {  	[tilespmem:$0x120] =	vst v0  }
0x30: {  	[tilespmem:$0x130] =	vst v0  }
0x31: {  	[tilespmem:$0x140] =	vst v0  }
0x32: {  	[tilespmem:$0x150] =	vst v0  }
0x33: {  	[tilespmem:$0x160] =	vst v0  }
0x34: {  	[tilespmem:$0x170] =	vst v0  }
0x35: {  	[tilespmem:$0x180] =	vst v0  }
0x36: {  	[tilespmem:$0x190] =	vst v0  }
0x37: {  	[tilespmem:$0x1A0] =	vst v0  }
0x38: {  	[tilespmem:$0x1B0] =	vst v0  }
0x39: {  	[tilespmem:$0x1C0] =	vst v0  }
0x3a: {  	[tilespmem:$0x1D0] =	vst v0  }
0x3b: {  	[tilespmem:$0x1E0] =	vst v0  }
0x3c: {  	[tilespmem:$0x1F0] =	vst v0  }
0x3d: {  	[tilespmem:$0x200] =	vst v0  }
0x3e: {  	[tilespmem:$0x210] =	vst v0  }
0x3f: {  	[tilespmem:$0x220] =	vst v0  }
0x40: {  	[tilespmem:$0x230] =	vst v0  }
0x41: {  	[tilespmem:$0x240] =	vst v0  }
0x42: {  	[tilespmem:$0x250] =	vst v0  }
0x43: {  	[tilespmem:$0x260] =	vst v0  }
0x44: {  	[tilespmem:$0x270] =	vst v0  }
0x45: {  	[tilespmem:$0x280] =	vst v1  }
0x46: {  	[tilespmem:$0x290] =	vst v1  }
0x47: {  	[tilespmem:$0x2A0] =	vst v1  }
0x48: {  	[tilespmem:$0x2B0] =	vst v1  }
0x49: {  	[tilespmem:$0x2C0] =	vst v1  }
0x4a: {  	[tilespmem:$0x2D0] =	vst v1  }
0x4b: {  	[tilespmem:$0x2E0] =	vst v1  }
0x4c: {  	s31 =	rddreg [dreg:$0x8];
	[tilespmem:$0x2F0] =	vst v1  }
0x4d: {  	[spmem:s31] =	stream.linear.scatter [tilespmem:s3], [sflag:$0x5], $0x280, $0x200038;
	[tilespmem:$0x19180] =	vst v63  }
0x4e: {  	_ =	swait.ge [sflag:s16], $0x280  }
0x4f: {  	[sflag:s16] =	ssyncset.done $0x0  }
0x50: {  	[sflag:s16] =	ssyncadd.s32 $0xFFFFFD80  }
0x51: {  	_ =	swait.ge [sflag:s17], $0x4F00  }
0x52: {  	p2 =	sne.s32 s4, $0x1;
	[sflag:s17] =	ssyncset.done $0x0  }
.Ltmp0:
0x53: {  	[sflag:s17] =	ssyncadd.s32 $0xFFFFB100;
	(pc) =	sbr.rel @!p2 .LBB2_3-.Ltmp0, $4  }
0x54: {  	[bflag:$0x0] =	sbarrier.arrive $0xFFFF  }
0x55: {  	_ =	strace $0x90000048  }
0x56: {  	s1 =	simm.s32 $0xF180;
	s5 =	sadd.s32 $0xFFFFFFFF, s4;
	_ =	strace $0x80000049  }
0x57: {  	[spmem:s2] =	stream.indirect.scatter.add.f32 [tilespmem:s19], [sflag:$0x1], $0x1, s1, s18, $0x2000b8;
	[tilespmem:$0x19180] =	vst v63  }
.LBB2_2:
0x58: {  	p3 =	sne.s32 s5, $0x1  }
.Ltmp1:
0x59: {  	_ = 	snop;
	(pc) =	sbr.rel @p3 .LBB2_2-.Ltmp1, $3  }
0x5a: {  	_ = 	snop  }
0x5b: {  	s5 =	sadd.s32 $0xFFFFFFFF, s5;
	s1 =	sadd.s32 $0x100, s1;
	_ =	sdelay $0x1  }
0x5c: {  	[spmem:s2] =	stream.indirect.scatter.add.f32 [tilespmem:s19], [sflag:$0x1], $0x1, s1, s18, $0x2000b8;
	[tilespmem:$0x19180] =	vst v63  }
.LBB2_3:
0x5d: {  	s1 =	rddreg [dreg:$0x2];
	s5 =	simm.s32 $0x5300  }
0x5e: {  	[tilespmem:s5], [sflag:$0x2] =	stream.linear.gather [hbm4b:s1+s3], $0x2710, $0x200038;
	[tilespmem:$0x19180] =	vst v63  }
0x5f: {  	s24 =	rddreg [dreg:$0x9]  }
0x60: {  	[tilespmem:s21], [sflag:$0x3] =	stream.linear.gather [hbm4b:s24+s3], $0x2710, $0x200038;
	[tilespmem:$0x19180] =	vst v63  }
.Ltmp2:
0x61: {  	_ = 	snop;
	(pc) =	sbr.rel @!p2 .LBB2_5-.Ltmp2, $4  }
0x62: {  	s25 =	rddreg [dreg:$0xa];
	s31 =	simm.s32 $0x14000  }
0x63: {  	[tilespmem:s31], [sflag:$0x3] =	stream.linear.gather [hbm4b:s25+s3], $0x2780, $0x200038;
	[tilespmem:$0x19180] =	vst v63  }
0x64: {  	_ =	swait.ge [sflag:s17], $0x80  }
0x65: {  	s1 =	sadd.s32 $0xFFFFFFFF, s4;
	[sflag:s17] =	ssyncset.done $0x0  }
.LBB2_4:
0x66: {  	p2 =	sne.s32 s1, $0x1;
	s1 =	sadd.s32 $0xFFFFFFFF, s1;
	[sflag:s17] =	ssyncadd.s32 $0xFFFFFF80  }
.Ltmp3:
0x67: {  	(pc) =	sbr.rel @p2 .LBB2_4-.Ltmp3, $3  }
0x68: {  	_ =	sdelay $0x1  }
0x69: {  	_ =	swait.ge [sflag:s17], $0x80  }
0x6a: {  	[sflag:s17] =	ssyncset.done $0x0  }
.LBB2_5:
0x6b: {  	[sflag:s17] =	ssyncadd.s32 $0xFFFFFF80  }
0x6c: {  	[bflag:$0x0] =	sbarrier.arrive $0xFFFF  }
0x6d: {  	_ =	strace $0x90000049  }
0x6e: {  	_ =	strace $0x8000004A  }
0x6f: {  	s1 =	sshrl.u32 @!p0 s2, $0x3;
	s5 =	simm.s32 @!p0 $0x1C05;
	s6 =	rddreg [dreg:$0xb]  }
0x70: {  	[hbm:s6], [sflag:s5] =	dma.local @!p0 [spmem:s1], $0x500  }
0x71: {  	s1 =	simm.s32 @!p0 $0x5  }
0x72: {  	_ =	swait.ge @!p0 [sflag:s1], $0x500  }
0x73: {  	[sflag:s1] =	ssyncset.done @!p0 $0x0  }
0x74: {  	[sflag:s1] =	ssyncadd.s32 @!p0 $0xFFFFFB00  }
0x75: {  	s1 =	simm.s32 @!p0 $0x100000;
	_ =	strace @!p0 $0x8000004B  }
0x76: {  	[smem:s1], [sflag:$0x0] =	smem.add.s32 @!p0 $0x0;
	s1 =	simm.s32 @!p0 $0x0  }
0x77: {  	_ =	swait.done @!p0 [sflag:s1]  }
0x78: {  	s5 =	ssyncread @!p0 [sflag:$0x0];
	_ =	sdelay $0x1  }
0x79: {  	s6 =	rddreg [dreg:$0xc]  }
0x7a: {  	s5 =	sadd.s32 @!p0 s6, s5  }
0x7b: {  	s5 =	sshll.u32 @!p0 s5, $0x11  }
0x7c: {  	[sflag:s1] =	ssyncset.s32 @!p0 $0x0;
	s5 =	sor.u32 @!p0 s5, s23  }
0x7d: {  	[sflag:s1] =	ssyncset.done @!p0 $0x0;
	s1 =	sor.u32 @!p0 $0x1C04, s5  }
0x7e: {  	[sflag:s1] =	ssyncadd.remote.s32 @!p0 $0x1;
	s1 =	simm.s32 @!p0 $0x4  }
0x7f: {  	_ =	swait.ge @!p0 [sflag:s1], $0x1  }
0x80: {  	[sflag:s1] =	ssyncset.done @!p0 $0x0  }
0x81: {  	[sflag:s1] =	ssyncadd.s32 @!p0 $0xFFFFFFFF  }
0x82: {  	_ =	strace @!p0 $0x9000004B  }
0x83: {  	s7 =	simm.s32 $0x2B00;
	[bflag:$0x0] =	sbarrier.arrive $0xFFFF  }
0x84: {  	[tilespmem:s7], [sflag:$0x2] =	stream.linear.gather [hbm4b:s12+s3], $0x2800, $0x200038;
	[tilespmem:$0x19180] =	vst v63  }
0x85: {  	s8 =	simm.s32 $0x300  }
0x86: {  	[tilespmem:s8], [sflag:$0x5] =	stream.linear.gather [spmem:s2], $0x2800, $0x200038;
	[tilespmem:$0x19180] =	vst v63  }
0x87: {  	_ =	swait.ge [sflag:s16], $0x2800  }
0x88: {  	[sflag:s16] =	ssyncset.done $0x0  }
0x89: {  	[sflag:s16] =	ssyncadd.s32 $0xFFFFD800  }
0x8a: {  	_ =	swait.ge [sflag:s26], $0x2800  }
0x8b: {  	[sflag:s26] =	ssyncset.done $0x0  }
0x8c: {  	[sflag:s26] =	ssyncadd.s32 $0xFFFFD800  }
0x8d: {  	_ =	swait.ge [sflag:s26], $0x2710  }
0x8e: {  	[sflag:s26] =	ssyncset.done $0x0  }
0x8f: {  	[sflag:s26] =	ssyncadd.s32 $0xFFFFD8F0  }
0x90: {  	_ =	strace $0x9000004A  }
0x91: {  	s9 =	simm.s32 $0x320;
	_ =	strace $0x8000004C  }
0x92: {  	s10 =	simm.s32 $0x2B20;
	v2 =	vld [tilespmem:s9+$0x10]  }
0x93: {  	v3 =	vld [tilespmem:s10+$0x10]  }
0x94: {  	v4 =	vld [tilespmem:s9+$0xFFFFFFF0]  }
0x95: {  	v5 =	vld [tilespmem:s10+$0xFFFFFFF0]  }
0x96: {  	v6 =	vld [tilespmem:s10+$0xFFFFFFE0]  }
0x97: {  	v7 =	vld [tilespmem:s9+$0x0]  }
0x98: {  	v8 =	vld [tilespmem:s10+$0x0];
	v2 =	vadd.f32 v3, v2  }
0x99: {  	v3 =	vld [tilespmem:s9+$0xFFFFFFE0]  }
0x9a: {  	v9 =	vmul.f32 $5.000000000e-01, v2;
	v10 =	vshra.s32 v2, $0x1  }
0x9b: {  	v4 =	vadd.f32 v5, v4;
	v5 =	vsub.s32 $0x5F3759DF, v10  }
0x9c: {  	v10 =	vmul.f32 v5, v9  }
0x9d: {  	v7 =	vadd.f32 v8, v7  }
0x9e: {  	v12 =	vshra.s32 v4, $0x1;
	v3 =	vadd.f32 v6, v3;
	v10 =	vmul.f32 v5, v10  }
0x9f: {  	v11 =	vmul.f32 $5.000000000e-01, v4;
	v14 =	vmul.f32 $5.000000000e-01, v7;
	v6 =	vsub.s32 $0x5F3759DF, v12  }
0xa0: {  	v12 =	vmul.f32 $5.000000000e-01, v3;
	v13 =	vshra.s32 v3, $0x1;
	v10 =	vsub.f32 $1.500000000e+00, v10  }
0xa1: {  	v15 =	vshra.s32 v7, $0x1;
	v8 =	vmul.f32 v6, v11;
	v13 =	vsub.s32 $0x5F3759DF, v13  }
0xa2: {  	v15 =	vsub.s32 $0x5F3759DF, v15;
	v16 =	vmul.f32 v13, v12;
	v5 =	vmul.f32 v5, v10  }
0xa3: {  	v8 =	vmul.f32 v6, v8;
	v10 =	vmul.f32 v15, v14  }
0xa4: {  	v16 =	vmul.f32 v13, v16;
	v17 =	vmul.f32 v5, v9  }
0xa5: {  	v8 =	vsub.f32 $1.500000000e+00, v8;
	v10 =	vmul.f32 v15, v10  }
0xa6: {  	v16 =	vsub.f32 $1.500000000e+00, v16;
	v17 =	vmul.f32 v17, v5  }
0xa7: {  	s20 =	simm.s32 $0x2B60;
	v6 =	vmul.f32 v6, v8;
	v8 =	vsub.f32 $1.500000000e+00, v10  }
0xa8: {  	s15 =	simm.s32 $0x360;
	v18 =	vld [tilespmem:s20+$0x10];
	v10 =	vmul.f32 v13, v16;
	v13 =	vsub.f32 $1.500000000e+00, v17  }
0xa9: {  	vm1 =	veq.f32 v4, $0.0e+00;
	v4 =	vld [tilespmem:s15+$0xFFFFFFF0];
	v16 =	vmul.f32 v6, v11;
	v8 =	vmul.f32 v15, v8  }
0xaa: {  	vm2 =	veq.f32 v7, $0.0e+00;
	v7 =	vld [tilespmem:s20+$0xFFFFFFF0];
	v15 =	vmul.f32 v10, v12;
	v5 =	vmul.f32 v13, v5  }
0xab: {  	v17 =	vld [tilespmem:s15+$0x10];
	v13 =	vmul.f32 v16, v6;
	v16 =	vmul.f32 v8, v14  }
0xac: {  	vm3 =	veq.f32 v2, $0.0e+00;
	v15 =	vmul.f32 v15, v10;
	v9 =	vmul.f32 v5, v9  }
0xad: {  	vm1 =	vmmov vm1;
	v13 =	vsub.f32 $1.500000000e+00, v13;
	v16 =	vmul.f32 v16, v8  }
0xae: {  	vm0 =	veq.f32 v3, $0.0e+00;
	v15 =	vsub.f32 $1.500000000e+00, v15;
	v9 =	vmul.f32 v9, v5  }
0xaf: {  	v3 =	vld [tilespmem:s20+$0xFFFFFFE0];
	v4 =	vadd.f32 v7, v4;
	v6 =	vmul.f32 v13, v6;
	v13 =	vsub.f32 $1.500000000e+00, v16  }
0xb0: {  	v16 =	vadd.f32 v18, v17;
	v10 =	vmul.f32 v15, v10;
	v15 =	vld [tilespmem:s15+$0x0];
	v9 =	vsub.f32 $1.500000000e+00, v9  }
0xb1: {  	vm2 =	vmmov vm2;
	v19 =	vmul.f32 $5.000000000e-01, v4;
	v8 =	vmul.f32 v13, v8;
	v13 =	vld [tilespmem:s20+$0x0]  }
0xb2: {  	v2 =	vmul.f32 $5.000000000e-01, v16;
	v17 =	vshra.s32 v16, $0x1;
	v5 =	vmul.f32 v9, v5;
	v9 =	vld [tilespmem:s15+$0xFFFFFFE0]  }
0xb3: {  	v11 =	vmul.f32 v6, v11;
	v12 =	vmul.f32 v10, v12;
	v7 =	vsub.s32 $0x5F3759DF, v17  }
0xb4: {  	s24 =	simm.s32 $0xA220;
	v14 =	vmul.f32 v8, v14;
	v17 =	vmul.f32 v7, v2;
	v5 =	vsel vm3, $0x7F800000, v5  }
0xb5: {  	s25 =	simm.s32 $0x5320;
	v20 =	vshra.s32 v4, $0x1;
	v11 =	vmul.f32 v11, v6;
	v12 =	vmul.f32 v12, v10;
	[tilespmem:s24+$0x10] =	vst v5  }
0xb6: {  	v14 =	vmul.f32 v14, v8;
	v13 =	vadd.f32 v13, v15;
	v15 =	vmul.f32 v7, v17;
	v18 =	vld [tilespmem:s25+$0x10]  }
0xb7: {  	v11 =	vsub.f32 $1.500000000e+00, v11;
	v3 =	vadd.f32 v3, v9;
	v9 =	vsub.s32 $0x5F3759DF, v20  }
0xb8: {  	v20 =	vmul.f32 $5.000000000e-01, v13;
	v15 =	vsub.f32 $1.500000000e+00, v15;
	v17 =	vmul.f32 v9, v19  }
0xb9: {  	v23 =	vshra.s32 v13, $0x1;
	v21 =	vmul.f32 $5.000000000e-01, v3;
	v22 =	vshra.s32 v3, $0x1  }
0xba: {  	v7 =	vmul.f32 v7, v15;
	v22 =	vsub.s32 $0x5F3759DF, v22;
	v15 =	vmul.f32 v9, v17  }
0xbb: {  	v18 =	vmul.f32 v5, v18;
	v5 =	vsub.s32 $0x5F3759DF, v23;
	v23 =	vmul.f32 v22, v21  }
0xbc: {  	v6 =	vmul.f32 v11, v6;
	v17 =	vmul.f32 v5, v20;
	v15 =	vsub.f32 $1.500000000e+00, v15  }
0xbd: {  	v12 =	vsub.f32 $1.500000000e+00, v12;
	v24 =	vmul.f32 v7, v2;
	v23 =	vmul.f32 v22, v23  }
0xbe: {  	v14 =	vsub.f32 $1.500000000e+00, v14;
	v17 =	vmul.f32 v5, v17;
	v9 =	vmul.f32 v9, v15  }
0xbf: {  	v10 =	vmul.f32 v12, v10;
	v12 =	vsub.f32 $1.500000000e+00, v23;
	v23 =	vmul.f32 v24, v7  }
0xc0: {  	vm3 =	veq.f32 v3, $0.0e+00;
	v11 =	vsub.f32 $1.500000000e+00, v17;
	v3 =	vmul.f32 v9, v19  }
0xc1: {  	v8 =	vmul.f32 v14, v8;
	v12 =	vmul.f32 v22, v12;
	v14 =	vsub.f32 $1.500000000e+00, v23  }
0xc2: {  	vm0 =	vmmov vm0;
	v5 =	vmul.f32 v5, v11;
	v11 =	vmul.f32 v3, v9  }
0xc3: {  	vm4 =	veq.f32 v4, $0.0e+00;
	v4 =	vmul.f32 v12, v21;
	v7 =	vmul.f32 v14, v7  }
0xc4: {  	s22 =	simm.s32 $0x3A0;
	vm5 =	veq.f32 v13, $0.0e+00;
	v3 =	vsel vm0, $0x7F800000, v10;
	v13 =	vmul.f32 v5, v20  }
0xc5: {  	s1 =	simm.s32 $0x2BA0;
	v10 =	vld [tilespmem:s22+$0x10];
	v11 =	vsub.f32 $1.500000000e+00, v11;
	v14 =	vmul.f32 v4, v12;
	v15 =	vmul.f32 v7, v2  }
0xc6: {  	v4 =	vsel vm1, $0x7F800000, v6;
	v6 =	vld [tilespmem:s1+$0x10];
	v2 =	vsel vm2, $0x7F800000, v8;
	v13 =	vmul.f32 v13, v5  }
0xc7: {  	v17 =	vld [tilespmem:s1+$0xFFFFFFE0];
	v11 =	vmul.f32 v11, v9;
	v8 =	vsub.f32 $1.500000000e+00, v14;
	v14 =	vmul.f32 v15, v7  }
0xc8: {  	vm0 =	vmmov vm5;
	v15 =	vld [tilespmem:s22+$0xFFFFFFF0];
	v9 =	vsub.f32 $1.500000000e+00, v13  }
0xc9: {  	v13 =	vld [tilespmem:s1+$0xFFFFFFF0];
	v19 =	vmul.f32 v11, v19;
	v12 =	vmul.f32 v8, v12;
	v8 =	vsub.f32 $1.500000000e+00, v14  }
0xca: {  	vm2 =	vmmov vm3;
	vm1 =	vmmov vm4;
	v14 =	vld [tilespmem:s22+$0x0];
	v22 =	vmul.f32 v9, v5  }
0xcb: {  	v9 =	vld [tilespmem:s1+$0x0];
	v5 =	vadd.f32 v6, v10;
	v19 =	vmul.f32 v19, v11;
	v7 =	vmul.f32 v8, v7  }
0xcc: {  	vm3 =	veq.f32 v16, $0.0e+00;
	v10 =	vld [tilespmem:s22+$0xFFFFFFE0];
	v6 =	vmul.f32 v12, v21;
	v20 =	vmul.f32 v22, v20  }
0xcd: {  	s20 =	simm.s32 $0xA260;
	v8 =	vmul.f32 $5.000000000e-01, v5;
	v16 =	vshra.s32 v5, $0x1;
	v21 =	vsel vm3, $0x7F800000, v7  }
0xce: {  	s15 =	simm.s32 $0x5360;
	v13 =	vadd.f32 v13, v15;
	v15 =	vsub.s32 $0x5F3759DF, v16;
	v16 =	vmul.f32 v6, v12;
	[tilespmem:s20+$0x10] =	vst v21  }
0xcf: {  	v19 =	vsub.f32 $1.500000000e+00, v19;
	v7 =	vmul.f32 v15, v8;
	v20 =	vmul.f32 v20, v22;
	v23 =	vld [tilespmem:s15+$0x10]  }
0xd0: {  	v6 =	vmul.f32 $5.000000000e-01, v13;
	v61 =	vshra.s32 v13, $0x1;
	v14 =	vadd.f32 v9, v14  }
0xd1: {  	v10 =	vadd.f32 v17, v10;
	v17 =	vsub.s32 $0x5F3759DF, v61;
	v62 =	vmul.f32 v15, v7  }
0xd2: {  	vm4 =	veq.f32 v13, $0.0e+00;
	v25 =	vmul.f32 v17, v6;
	v7 =	vmul.f32 $5.000000000e-01, v14  }
0xd3: {  	v9 =	vmul.f32 $5.000000000e-01, v10;
	v27 =	vshra.s32 v10, $0x1;
	v24 =	vsub.f32 $1.500000000e+00, v62  }
0xd4: {  	v26 =	vshra.s32 v14, $0x1;
	v27 =	vsub.s32 $0x5F3759DF, v27;
	v21 =	vmul.f32 v21, v23  }
0xd5: {  	v26 =	vsub.s32 $0x5F3759DF, v26;
	v23 =	vmul.f32 v27, v9;
	v24 =	vmul.f32 v15, v24  }
0xd6: {  	v63 =	vmul.f32 v26, v7;
	v15 =	vsub.f32 $1.500000000e+00, v16;
	v16 =	vmul.f32 v17, v25  }
0xd7: {  	vm3 =	veq.f32 v10, $0.0e+00;
	v23 =	vmul.f32 v27, v23;
	v10 =	vmul.f32 v24, v8  }
0xd8: {  	v20 =	vsub.f32 $1.500000000e+00, v20;
	v25 =	vmul.f32 v26, v63;
	v16 =	vsub.f32 $1.500000000e+00, v16  }
0xd9: {  	[tilespmem:s24+$0xFFFFFFE0] =	vst v3;
	v28 =	vmul.f32 v15, v12;
	v12 =	vsub.f32 $1.500000000e+00, v23;
	v10 =	vmul.f32 v10, v24  }
0xda: {  	[tilespmem:s24+$0xFFFFFFF0] =	vst v4;
	v23 =	vmul.f32 v19, v11;
	v15 =	vmul.f32 v17, v16;
	v17 =	vsub.f32 $1.500000000e+00, v25  }
0xdb: {  	[tilespmem:s24+$0x0] =	vst v2;
	s22 =	simm.s32 $0xC9A0;
	v19 =	vmul.f32 v20, v22;
	v16 =	vmul.f32 v27, v12;
	v10 =	vsub.f32 $1.500000000e+00, v10  }
0xdc: {  	s24 =	simm.s32 $0xC9E0;
	[tilespmem:s22+$0x10] =	vst v18;
	vm5 =	veq.f32 v14, $0.0e+00;
	v11 =	vld [tilespmem:s25+$0xFFFFFFE0];
	v20 =	vmul.f32 v15, v6;
	v18 =	vmul.f32 v26, v17  }
0xdd: {  	[tilespmem:s24+$0x10] =	vst v21;
	v13 =	vsel vm2, $0x7F800000, v28;
	v12 =	vld [tilespmem:s25+$0xFFFFFFF0];
	v22 =	vmul.f32 v16, v9;
	v17 =	vmul.f32 v10, v24  }
0xde: {  	s31 =	simm.s32 $0x80;
	s5 =	simm.s32 $0x3E0;
	[tilespmem:s20+$0xFFFFFFE0] =	vst v13;
	v14 =	vsel vm1, $0x7F800000, v23;
	v10 =	vld [tilespmem:s25+$0x0];
	v20 =	vmul.f32 v20, v15;
	v21 =	vmul.f32 v18, v7;
	s25 =	simm.s32 $0x5360  }
.LBB2_6:
0xdf: {  	v22 =	vmul.f32 v22, v16;
	v8 =	vmul.f32 v17, v8;
	v19 =	vsel vm0, $0x7F800000, v19  }
0xe0: {  	v23 =	vld [tilespmem:s5+$0x10];
	s1 =	sadd.s32 $0x40, s1;
	[tilespmem:s20+$0xFFFFFFF0] =	vst v14;
	vm2 =	vmmov vm3;
	vm1 =	vmmov vm4;
	vm0 =	vmmov vm5  }
0xe1: {  	s31 =	sadd.s32 $0x40, s31;
	v11 =	vmul.f32 v3, v11;
	v3 =	vmovc v13;
	v24 =	vld [tilespmem:s1+$0x10];
	v20 =	vsub.f32 $1.500000000e+00, v20;
	v21 =	vmul.f32 v21, v18;
	[tilespmem:s20+$0x0] =	vst v19  }
0xe2: {  	v12 =	vmul.f32 v4, v12;
	v4 =	vmovc v14;
	p2 =	slt.u32 s31, $0x26C0;
	v13 =	vld [tilespmem:s1+$0xFFFFFFE0];
	v22 =	vsub.f32 $1.500000000e+00, v22;
	v8 =	vmul.f32 v8, v17  }
0xe3: {  	v10 =	vmul.f32 v2, v10;
	v2 =	vmovc v19;
	v14 =	vld [tilespmem:s5+$0xFFFFFFF0];
	v15 =	vmul.f32 v20, v15;
	v20 =	vsub.f32 $1.500000000e+00, v21;
	[tilespmem:s22+$0xFFFFFFE0] =	vst v11  }
0xe4: {  	v19 =	vld [tilespmem:s1+$0xFFFFFFF0];
	v16 =	vmul.f32 v22, v16;
	v8 =	vsub.f32 $1.500000000e+00, v8;
	[tilespmem:s22+$0xFFFFFFF0] =	vst v12  }
0xe5: {  	v21 =	vld [tilespmem:s5+$0x0];
	v6 =	vmul.f32 v15, v6;
	v18 =	vmul.f32 v20, v18;
	[tilespmem:s22+$0x0] =	vst v10;
	s22 =	smov.u32 s24  }
0xe6: {  	v10 =	vld [tilespmem:s1+$0x0];
	v12 =	vadd.f32 v24, v23;
	v9 =	vmul.f32 v16, v9;
	v11 =	vmul.f32 v8, v17  }
0xe7: {  	vm3 =	veq.f32 v5, $0.0e+00;
	v17 =	vld [tilespmem:s5+$0xFFFFFFE0];
	v6 =	vmul.f32 v6, v15;
	v7 =	vmul.f32 v18, v7  }
0xe8: {  	s20 =	sadd.s32 $0x40, s20;
	v8 =	vmul.f32 $5.000000000e-01, v12;
	v20 =	vshra.s32 v12, $0x1;
	v22 =	vsel vm3, $0x7F800000, v11;
	v11 =	vld [tilespmem:s15+$0xFFFFFFE0];
	v5 =	vmovc v12  }
0xe9: {  	s15 =	sadd.s32 $0x40, s15;
	v14 =	vadd.f32 v19, v14;
	v19 =	vsub.s32 $0x5F3759DF, v20;
	v20 =	vmul.f32 v9, v16;
	[tilespmem:s20+$0x10] =	vst v22;
	v12 =	vld [tilespmem:s25+$0xFFFFFFF0]  }
0xea: {  	v23 =	vsub.f32 $1.500000000e+00, v6;
	v24 =	vmul.f32 v7, v18;
	v9 =	vmul.f32 v19, v8;
	v25 =	vld [tilespmem:s15+$0x10]  }
0xeb: {  	v6 =	vmul.f32 $5.000000000e-01, v14;
	v7 =	vshra.s32 v14, $0x1;
	v21 =	vadd.f32 v10, v21;
	v10 =	vld [tilespmem:s25+$0x0];
	s25 =	smov.u32 s15  }
0xec: {  	v13 =	vadd.f32 v13, v17;
	v17 =	vsub.s32 $0x5F3759DF, v7;
	v26 =	vmul.f32 v19, v9  }
0xed: {  	v27 =	vmul.f32 v17, v6;
	v7 =	vmul.f32 $5.000000000e-01, v21;
	v28 =	vshra.s32 v21, $0x1  }
0xee: {  	v9 =	vmul.f32 $5.000000000e-01, v13;
	v29 =	vshra.s32 v13, $0x1;
	v26 =	vsub.f32 $1.500000000e+00, v26  }
0xef: {  	v28 =	vsub.s32 $0x5F3759DF, v28;
	v29 =	vsub.s32 $0x5F3759DF, v29;
	v22 =	vmul.f32 v22, v25  }
0xf0: {  	s24 =	sadd.s32 $0x40, s24;
	v25 =	vmul.f32 v29, v9;
	v26 =	vmul.f32 v19, v26;
	v19 =	vsub.f32 $1.500000000e+00, v20  }
0xf1: {  	v24 =	vsub.f32 $1.500000000e+00, v24;
	v20 =	vmul.f32 v17, v27;
	v27 =	vmul.f32 v28, v7;
	[tilespmem:s24+$0x10] =	vst v22  }
0xf2: {  	vm3 =	veq.f32 v13, $0.0e+00;
	v22 =	vmul.f32 v29, v25;
	v13 =	vmul.f32 v26, v8  }
0xf3: {  	v20 =	vsub.f32 $1.500000000e+00, v20;
	v25 =	vmul.f32 v28, v27;
	v27 =	vmul.f32 v19, v16  }
0xf4: {  	v23 =	vmul.f32 v23, v15;
	v16 =	vsub.f32 $1.500000000e+00, v22;
	v13 =	vmul.f32 v13, v26  }
.Ltmp4:
0xf5: {  	v19 =	vmul.f32 v24, v18;
	v15 =	vmul.f32 v17, v20;
	v17 =	vsub.f32 $1.500000000e+00, v25;
	(pc) =	sbr.rel @p2 .LBB2_6-.Ltmp4, $4  }
0xf6: {  	vm4 =	veq.f32 v14, $0.0e+00;
	v16 =	vmul.f32 v29, v16;
	v13 =	vsub.f32 $1.500000000e+00, v13  }
0xf7: {  	vm5 =	veq.f32 v21, $0.0e+00;
	v14 =	vmul.f32 v15, v6;
	v18 =	vmul.f32 v28, v17  }
0xf8: {  	v22 =	vmul.f32 v16, v9;
	v17 =	vmul.f32 v13, v26;
	v13 =	vsel vm2, $0x7F800000, v27  }
0xf9: {  	s5 =	sadd.s32 $0x40, s5;
	v20 =	vmul.f32 v14, v15;
	v21 =	vmul.f32 v18, v7;
	v14 =	vsel vm1, $0x7F800000, v23;
	[tilespmem:s20+$0xFFFFFFE0] =	vst v13  }
0xfa: {  	v22 =	vmul.f32 v22, v16;
	v8 =	vmul.f32 v17, v8  }
0xfb: {  	v21 =	vmul.f32 v21, v18;
	v20 =	vsub.f32 $1.500000000e+00, v20  }
0xfc: {  	v22 =	vsub.f32 $1.500000000e+00, v22;
	v8 =	vmul.f32 v8, v17  }
0xfd: {  	v21 =	vsub.f32 $1.500000000e+00, v21;
	v15 =	vmul.f32 v20, v15  }
0xfe: {  	v47 =	vmul.f32 v22, v16;
	v8 =	vsub.f32 $1.500000000e+00, v8  }
0xff: {  	v48 =	vmul.f32 v21, v18;
	v6 =	vmul.f32 v15, v6  }
0x100: {  	v9 =	vmul.f32 v47, v9;
	v8 =	vmul.f32 v8, v17  }
0x101: {  	vm1 =	veq.f32 v5, $0.0e+00;
	v7 =	vmul.f32 v48, v7;
	v6 =	vmul.f32 v6, v15  }
0x102: {  	[tilespmem:s20+$0xFFFFFFF0] =	vst v14;
	s1 =	sadd.s32 $0x40, s20;
	v3 =	vmul.f32 v3, v11;
	v9 =	vmul.f32 v9, v47;
	v5 =	vsel vm1, $0x7F800000, v8  }
0x103: {  	s5 =	sadd.s32 $0x40, s15;
	v4 =	vmul.f32 v4, v12;
	v7 =	vmul.f32 v7, v48;
	[tilespmem:s1+$0x10] =	vst v5;
	v6 =	vsub.f32 $1.500000000e+00, v6  }
0x104: {  	v2 =	vmul.f32 v2, v10;
	[tilespmem:s22+$0xFFFFFFE0] =	vst v3;
	v8 =	vsub.f32 $1.500000000e+00, v9;
	v11 =	vld [tilespmem:s5+$0x10]  }
0x105: {  	v3 =	vld [tilespmem:s15+$0xFFFFFFE0];
	[tilespmem:s22+$0xFFFFFFF0] =	vst v4;
	v9 =	vsel vm0, $0x7F800000, v19;
	v7 =	vsub.f32 $1.500000000e+00, v7;
	v6 =	vmul.f32 v6, v15  }
0x106: {  	vm13 =	vmmov vm4;
	v4 =	vld [tilespmem:s25+$0xFFFFFFF0];
	[tilespmem:s20+$0x0] =	vst v9;
	v8 =	vmul.f32 v8, v47  }
0x107: {  	vm12 =	vmmov vm3;
	[tilespmem:s22+$0x0] =	vst v2;
	v49 =	vld [tilespmem:s25+$0x0];
	v7 =	vmul.f32 v7, v48;
	v6 =	vsel vm13, $0x7F800000, v6  }
0x108: {  	vm14 =	vmmov vm5;
	v8 =	vsel vm12, $0x7F800000, v8;
	[tilespmem:s1+$0xFFFFFFF0] =	vst v6  }
0x109: {  	[tilespmem:s1+$0xFFFFFFE0] =	vst v8;
	v7 =	vsel vm14, $0x7F800000, v7;
	v5 =	vmul.f32 v5, v11;
	v11 =	vld [tilespmem:s5+$0xFFFFFFF0]  }
0x10a: {  	v2 =	vmul.f32 v13, v3;
	v10 =	vld [tilespmem:s5+$0xFFFFFFE0];
	[tilespmem:s1+$0x0] =	vst v7  }
0x10b: {  	v4 =	vmul.f32 v14, v4;
	v3 =	vld [tilespmem:s5+$0x0]  }
0x10c: {  	[tilespmem:s24+$0xFFFFFFE0] =	vst v2;
	v2 =	vmul.f32 v9, v49  }
0x10d: {  	[tilespmem:s24+$0xFFFFFFF0] =	vst v4  }
0x10e: {  	s8 =	sadd.s32 $0x40, s24;
	[tilespmem:s24+$0x0] =	vst v2;
	v2 =	vmul.f32 v6, v11  }
0x10f: {  	[tilespmem:s8+$0x10] =	vst v5;
	v4 =	vmul.f32 v8, v10  }
0x110: {  	v3 =	vmul.f32 v7, v3;
	[tilespmem:s8+$0xFFFFFFF0] =	vst v2  }
0x111: {  	[tilespmem:s8+$0xFFFFFFE0] =	vst v4  }
0x112: {  	[tilespmem:s8+$0x0] =	vst v3  }
0x113: {  	v2 =	vld [tilespmem:$0x2A00]  }
0x114: {  	v3 =	vld [tilespmem:$0x5200];
	_ =	sdelay $0x4  }
0x115: {  	v2 =	vadd.f32 v3, v2;
	_ =	sdelay $0x1  }
0x116: {  	v3 =	vmul.f32 $5.000000000e-01, v2;
	v4 =	vshra.s32 v2, $0x1  }
0x117: {  	v4 =	vsub.s32 $0x5F3759DF, v4  }
0x118: {  	v5 =	vmul.f32 v4, v3;
	_ =	sdelay $0x1  }
0x119: {  	v5 =	vmul.f32 v4, v5;
	_ =	sdelay $0x1  }
0x11a: {  	v5 =	vsub.f32 $1.500000000e+00, v5;
	_ =	sdelay $0x1  }
0x11b: {  	v4 =	vmul.f32 v4, v5;
	_ =	sdelay $0x1  }
0x11c: {  	v5 =	vmul.f32 v4, v3;
	_ =	sdelay $0x1  }
0x11d: {  	v5 =	vmul.f32 v5, v4;
	_ =	sdelay $0x1  }
0x11e: {  	v5 =	vsub.f32 $1.500000000e+00, v5;
	_ =	sdelay $0x1  }
0x11f: {  	v4 =	vmul.f32 v5, v4;
	_ =	sdelay $0x1  }
0x120: {  	v3 =	vmul.f32 v4, v3;
	_ =	sdelay $0x1  }
0x121: {  	v3 =	vmul.f32 v3, v4;
	_ =	sdelay $0x1  }
0x122: {  	v5 =	vld [tilespmem:$0x7A00];
	v3 =	vsub.f32 $1.500000000e+00, v3;
	_ =	sdelay $0x1  }
0x123: {  	v3 =	vmul.f32 v3, v4  }
0x124: {  	vm15 =	veq.f32 v2, $0.0e+00  }
0x125: {  	v2 =	vsel vm15, $0x7F800000, v3  }
0x126: {  	v3 =	vmul.f32 v2, v5  }
0x127: {  	[tilespmem:$0xC900] =	vst v2  }
0x128: {  	[tilespmem:$0xF080] =	vst v3  }
0x129: {  	_ =	strace $0x9000004C  }
0x12a: {  	_ =	strace $0x8000004D  }
0x12b: {  	_ =	swait.ge [sflag:s28], $0x2710  }
0x12c: {  	[sflag:s28] =	ssyncset.done $0x0  }
0x12d: {  	[sflag:s28] =	ssyncadd.s32 $0xFFFFD8F0  }
0x12e: {  	_ =	swait.ge [sflag:s28], $0x2780  }
0x12f: {  	s9 =	simm.s32 $0x0;
	s10 =	simm.s32 $0x0;
	[sflag:s28] =	ssyncset.done $0x0  }
0x130: {  	s20 =	sand.u32 $0x40, s10;
	s1 =	sand.u32 $0x7F00, s9;
	[sflag:s28] =	ssyncadd.s32 $0xFFFFD880  }
0x131: {  	s1 =	sadd.s32 $0xF100, s1;
	s24 =	sor.u32 $0x30, s20;
	_ =	strace $0x9000004D  }
0x132: {  	s31 =	sor.u32 s24, s1;
	_ =	strace $0x8000004E  }
0x133: {  	s6 =	sor.u32 $0x10, s20;
	v2 =	vld [tilespmem:s31+$0x0]  }
0x134: {  	s7 =	sor.u32 s6, s1;
	v3 =	vld [tilespmem:s31+$0x80]  }
0x135: {  	s5 =	sand.u32 $0x3F80, s10;
	s8 =	sor.u32 $0x20, s20;
	v4 =	vld [tilespmem:s7+$0x0]  }
0x136: {  	s22 =	sor.u32 s5, s8;
	v5 =	vld [tilespmem:s7+$0x80]  }
0x137: {  	s31 =	sor.u32 s8, s1;
	v55 =	vld [tilespmem:s22+$0x14000]  }
0x138: {  	v6 =	vld [tilespmem:s31+$0x0]  }
0x139: {  	s1 =	sor.u32 s20, s1;
	v7 =	vld [tilespmem:s31+$0x80]  }
0x13a: {  	s15 =	simm.s32 $0x80;
	v8 =	vld [tilespmem:s1+$0x0]  }
0x13b: {  	s9 =	sand.u32 $0x7F00, s15;
	s20 =	simm.s32 $0x14000;
	v9 =	vld [tilespmem:s1+$0x80];
	s1 =	simm.s32 $0x40  }
0x13c: {  	s31 =	sor.u32 s5, s24;
	s24 =	sor.u32 s5, s6;
	v56 =	vld [tilespmem:s20+$0x0];
	s5 =	sand.u32 $0x40, s1  }
0x13d: {  	s25 =	sadd.s32 $0xF100, s9;
	v52 =	vld [tilespmem:s31+$0x14000];
	s6 =	sor.u32 $0x30, s5  }
0x13e: {  	v54 =	vld [tilespmem:s24+$0x14000];
	s7 =	sor.u32 s6, s25  }
0x13f: {  	s8 =	sor.u32 $0x10, s5;
	v57 =	vld [tilespmem:s7+$0x0]  }
0x140: {  	s9 =	sor.u32 s8, s25;
	v58 =	vld [tilespmem:s7+$0x80]  }
0x141: {  	v59 =	vld [tilespmem:s9+$0x0]  }
0x142: {  	s7 =	sor.u32 $0x20, s5;
	v60 =	vld [tilespmem:s9+$0x80];
	s5 =	sor.u32 s5, s25  }
0x143: {  	s10 =	sor.u32 s7, s25;
	v25 =	vld [tilespmem:s5+$0x80]  }
0x144: {  	v23 =	vld [tilespmem:s10+$0x0]  }
0x145: {  	v24 =	vld [tilespmem:s10+$0x80]  }
0x146: {  	v10 =	vld.idx.msk [tilespmem:v2+s29+$0x0], $0xffff  }
0x147: {  	v3 =	vld.idx.msk [tilespmem:v3+s30+$0x0], $0xffff  }
0x148: {  	v11 =	vld.idx.msk [tilespmem:v4+s29+$0x0], $0xffff  }
0x149: {  	v50 =	vld.idx.msk [tilespmem:v2+s21+$0x0], $0xffff  }
0x14a: {  	v5 =	vld.idx.msk [tilespmem:v5+s30+$0x0], $0xffff  }
0x14b: {  	v4 =	vld.idx.msk [tilespmem:v4+s21+$0x0], $0xffff  }
0x14c: {  	v2 =	vld [tilespmem:s5+$0x0]  }
0x14d: {  	v51 =	vld.idx.msk [tilespmem:v6+s29+$0x0], $0xffff  }
0x14e: {  	v7 =	vld.idx.msk [tilespmem:v7+s30+$0x0], $0xffff  }
0x14f: {  	v53 =	vld.idx.msk [tilespmem:v8+s29+$0x0], $0xffff  }
0x150: {  	v9 =	vld.idx.msk [tilespmem:v9+s30+$0x0], $0xffff  }
0x151: {  	s10 =	sand.u32 $0x3F80, s1;
	v6 =	vld.idx.msk [tilespmem:v6+s21+$0x0], $0xffff  }
0x152: {  	s25 =	sor.u32 s10, s6;
	v8 =	vld.idx.msk [tilespmem:v8+s21+$0x0], $0xffff  }
0x153: {  	v62 =	vld [tilespmem:s25+$0x14000]  }
0x154: {  	v26 =	vld.idx.msk [tilespmem:v57+s29+$0x0], $0xffff  }
0x155: {  	v20 =	vld.idx.msk [tilespmem:v58+s30+$0x0], $0xffff;
	v3 =	vmul.f32 v3, v10  }
0x156: {  	v10 =	vld.idx.msk [tilespmem:v59+s29+$0x0], $0xffff;
	v5 =	vmul.f32 v5, v11  }
0x157: {  	v11 =	vld.idx.msk [tilespmem:v57+s21+$0x0], $0xffff;
	v7 =	vmul.f32 v7, v51;
	v12 =	vadd.f32 v3, v50  }
0x158: {  	v61 =	vld.idx.msk [tilespmem:v60+s30+$0x0], $0xffff;
	v9 =	vmul.f32 v9, v53;
	v4 =	vadd.f32 v5, v4  }
0x159: {  	v3 =	vld.idx.msk [tilespmem:v23+s29+$0x0], $0xffff;
	v6 =	vadd.f32 v7, v6;
	v5 =	vmul.f32 v12, v52  }
0x15a: {  	v8 =	vadd.f32 v9, v8;
	v7 =	vld.idx.msk [tilespmem:v24+s30+$0x0], $0xffff;
	v9 =	vmul.f32 v4, v54;
	v63 =	vmul.f32 v20, v26  }
0x15b: {  	v4 =	vld.idx.msk [tilespmem:v2+s29+$0x0], $0xffff;
	v6 =	vmul.f32 v6, v55;
	[tilespmem:s31+$0x16780] =	vst v5  }
0x15c: {  	v8 =	vmul.f32 v8, v56;
	[tilespmem:s24+$0x16780] =	vst v9;
	v5 =	vld.idx.msk [tilespmem:v25+s30+$0x0], $0xffff;
	v11 =	vadd.f32 v63, v11  }
0x15d: {  	s5 =	simm.s32 $0x16780;
	[tilespmem:s22+$0x16780] =	vst v6;
	v6 =	vld.idx.msk [tilespmem:v59+s21+$0x0], $0xffff  }
0x15e: {  	s24 =	sor.u32 s10, s8;
	v9 =	vmul.f32 v61, v10;
	[tilespmem:s5+$0x0] =	vst v8;
	s22 =	sor.u32 s10, s7;
	v8 =	vld.idx.msk [tilespmem:v23+s21+$0x0], $0xffff;
	v10 =	vmul.f32 v11, v62  }
.LBB2_8:
0x15f: {  	s1 =	sadd.s32 $0x40, s1;
	v2 =	vld.idx.msk [tilespmem:v2+s21+$0x0], $0xffff;
	s15 =	sadd.s32 $0x80, s15;
	s20 =	sadd.s32 $0x40, s20  }
0x160: {  	v3 =	vmul.f32 v7, v3;
	s6 =	sand.u32 $0x40, s1;
	s7 =	sand.u32 $0x7F00, s15;
	p2 =	slt.u32 s1, $0x2740;
	v11 =	vld [tilespmem:s24+$0x14000];
	[tilespmem:s25+$0x16780] =	vst v10  }
0x161: {  	s7 =	sadd.s32 $0xF100, s7;
	s8 =	sor.u32 $0x10, s6;
	s9 =	sor.u32 $0x30, s6;
	v7 =	vld [tilespmem:s22+$0x14000]  }
0x162: {  	s25 =	sor.u32 $0x20, s6;
	v4 =	vmul.f32 v5, v4;
	s10 =	sor.u32 s8, s7;
	s31 =	sor.u32 s9, s7;
	v10 =	vld [tilespmem:s20+$0x0]  }
0x163: {  	s6 =	sor.u32 s6, s7;
	s7 =	sor.u32 s25, s7;
	v6 =	vadd.f32 v9, v6;
	v5 =	vld [tilespmem:s31+$0x0]  }
0x164: {  	v3 =	vadd.f32 v3, v8;
	v9 =	vld [tilespmem:s31+$0x80]  }
0x165: {  	v2 =	vadd.f32 v4, v2;
	v8 =	vld [tilespmem:s10+$0x0];
	v4 =	vmul.f32 v6, v11  }
0x166: {  	v6 =	vld [tilespmem:s10+$0x80];
	v3 =	vmul.f32 v3, v7  }
0x167: {  	v11 =	vld [tilespmem:s7+$0x0];
	v7 =	vmul.f32 v2, v10;
	[tilespmem:s24+$0x16780] =	vst v4  }
0x168: {  	s5 =	sadd.s32 $0x40, s5;
	v4 =	vld [tilespmem:s7+$0x80];
	[tilespmem:s22+$0x16780] =	vst v3  }
0x169: {  	v2 =	vld [tilespmem:s6+$0x0];
	[tilespmem:s5+$0x0] =	vst v7  }
0x16a: {  	v10 =	vld [tilespmem:s6+$0x80]  }
0x16b: {  	v12 =	vld.idx.msk [tilespmem:v5+s29+$0x0], $0xffff  }
0x16c: {  	v9 =	vld.idx.msk [tilespmem:v9+s30+$0x0], $0xffff  }
0x16d: {  	v13 =	vld.idx.msk [tilespmem:v8+s29+$0x0], $0xffff  }
0x16e: {  	v14 =	vld.idx.msk [tilespmem:v5+s21+$0x0], $0xffff  }
0x16f: {  	s6 =	sand.u32 $0x3F80, s1;
	v15 =	vld.idx.msk [tilespmem:v6+s30+$0x0], $0xffff  }
0x170: {  	s24 =	sor.u32 s6, s8;
	s22 =	sor.u32 s6, s25;
	s25 =	sor.u32 s6, s9;
	v3 =	vld.idx.msk [tilespmem:v11+s29+$0x0], $0xffff  }
0x171: {  	v16 =	vld [tilespmem:s25+$0x14000]  }
.Ltmp5:
0x172: {  	v6 =	vmul.f32 v9, v12;
	v7 =	vld.idx.msk [tilespmem:v4+s30+$0x0], $0xffff;
	(pc) =	sbr.rel @p2 .LBB2_8-.Ltmp5, $4  }
0x173: {  	v4 =	vld.idx.msk [tilespmem:v2+s29+$0x0], $0xffff  }
0x174: {  	v5 =	vld.idx.msk [tilespmem:v10+s30+$0x0], $0xffff;
	v10 =	vadd.f32 v6, v14  }
0x175: {  	v9 =	vmul.f32 v15, v13;
	v6 =	vld.idx.msk [tilespmem:v8+s21+$0x0], $0xffff  }
0x176: {  	v8 =	vld.idx.msk [tilespmem:v11+s21+$0x0], $0xffff;
	v10 =	vmul.f32 v10, v16  }
0x177: {  	_ =	sdelay $0x3  }
0x178: {  	v2 =	vld.idx.msk [tilespmem:v2+s21+$0x0], $0xffff  }
0x179: {  	v11 =	vld [tilespmem:s24+$0x14000]  }
0x17a: {  	s1 =	sadd.s32 $0x40, s20;
	v12 =	vld [tilespmem:s22+$0x14000]  }
0x17b: {  	v3 =	vmul.f32 v7, v3;
	v61 =	vld [tilespmem:s1+$0x0]  }
0x17c: {  	v4 =	vmul.f32 v5, v4;
	v62 =	vadd.f32 v9, v6  }
0x17d: {  	v3 =	vadd.f32 v3, v8  }
0x17e: {  	v2 =	vadd.f32 v4, v2;
	v63 =	vmul.f32 v62, v11  }
0x17f: {  	[tilespmem:s25+$0x16780] =	vst v10;
	v3 =	vmul.f32 v3, v12  }
0x180: {  	v2 =	vmul.f32 v2, v61;
	[tilespmem:s24+$0x16780] =	vst v63  }
0x181: {  	s25 =	sadd.s32 $0x40, s5;
	[tilespmem:s22+$0x16780] =	vst v3  }
0x182: {  	[tilespmem:s25+$0x0] =	vst v2  }
0x183: {  	_ =	strace $0x9000004E  }
0x184: {  	s31 =	simm.s32 $0x16780;
	_ =	strace $0x8000004F  }
0x185: {  	[hbm4b:s11+s3] =	stream.linear.scatter [tilespmem:s31], [sflag:$0x5], $0x2700, $0x200038;
	[tilespmem:$0x19180] =	vst v63  }
0x186: {  	_ =	swait.ge [sflag:s16], $0x2700  }
0x187: {  	s0 =	sadd.s32 $0x1, s0;
	s1 =	simm.s32 @!p1 $0x0;
	[sflag:s16] =	ssyncset.done $0x0  }
0x188: {  	s5 =	simm.s32 @!p1 $0x18E80;
	p2 =	sne.s32 s0, s14;
	[sflag:s16] =	ssyncadd.s32 $0xFFFFD900  }
0x189: {  	[hbm4b:s13+s1] =	stream.linear.scatter @!p1 [tilespmem:s5], [sflag:$0x5], $0x80, $0x200038;
	[tilespmem:$0x19180] =	vst v63  }
.Ltmp6:
0x18a: {  	s1 =	simm.s32 @!p1 $0x5;
	(pc) =	sbr.rel @p2 .LBB2_1-.Ltmp6, $4  }
0x18b: {  	_ =	swait.ge @!p1 [sflag:s1], $0x80  }
0x18c: {  	[sflag:s1] =	ssyncset.done @!p1 $0x0  }
0x18d: {  	[sflag:s1] =	ssyncadd.s32 @!p1 $0xFFFFFF80  }
0x18e: {  	_ =	strace $0x9000004F  }
0x18f: {  	_ =	sfence.sel $0x180000  }
0x190: {  	[bflag:$0x0] =	sbarrier.arrive $0xFFFF  }
0x191: {  	_ =	strace $0x90000047  }
0x192: {  	[bflag:$0x2] =	sbarrier.arrive $0xFFFF  }
0x193: {  	s0 =	rddreg [dreg:$0x6]  }
0x194: {  	s0 =	sadd.s32 @!p0 $0x100000, s0  }
0x195: {  	[sflag:s0] =	ssyncadd.tile.s32 @!p0 $0x1;
	_ =	shalt  }
.Lfunc_end2:
_tile_overlayer_lowered:
.L_overlay_start_2:
0x196: {  	(tag) =	ssettag $0x2  }
0x197: {  	s0 =	rddreg [dreg:$0x0];
	s2 =	stileid.u32  }
0x198: {  	s1 =	rddreg [dreg:$0x1];
	p0 =	sne.s32 s2, $0x0  }
0x199: {  	s3 =	rddreg [dreg:$0x2];
	[bflag:$0x3] =	sbarrier.arrive $0xFFFF;
	s2 =	simm.s32 @!p0 $0x1C05  }
0x19a: {  	[timem:s3], [sflag:s2] =	dma.local @!p0 [hbm:s0], s1  }
0x19b: {  	s0 =	simm.s32 @!p0 $0x5  }
0x19c: {  	_ =	swait.ge @!p0 [sflag:s0], s1  }
0x19d: {  	s1 =	ssub.s32 @!p0 $0x0, s1;
	[sflag:s0] =	ssyncset.done @!p0 $0x0  }
0x19e: {  	[sflag:s0] =	ssyncadd.s32 @!p0 s1  }
0x19f: {  	[bflag:$0x3] =	sbarrier.arrive $0xFFFF  }
0x1a0: {  	_ =	shalt  }

</sc_bundles>
